<compile_context>
chip_gen: v7x
topology: tpu7x:2x2x1
jax: 0.10.2.dev20260603
libtpu: 0.0.44.dev20260713+nightly
codegen_flags: <defaults>
</compile_context>

<pallas_src>
import functools

import jax
import jax.numpy as jnp
from jax import lax
from jax.experimental import pallas as pl
from jax.experimental.pallas import tpu as pltpu
from jax.experimental.pallas import tpu_sc as plsc

IMAGE_TOKEN = 1024
SEQ = 4096
NIMG = 576
EMB = 2048
OUT_LEN = SEQ - 1 + NIMG
LEAD = 1024
TAIL = SEQ - (LEAD + 1)
B0 = LEAD
B1 = LEAD + NIMG

NC, NS, L = 2, 16, 16
NW = NC * NS
CR = 16
NCH = -(-OUT_LEN // CR)
CPW = NCH // NW
EXTRA = NCH - CPW * NW
BIG = 2 ** 30


def _fusion_body(text_h, img_h, ids_h, pos_h, out_h, pos_out_h,
                 ids_v, pos_v, pacc_v, m_v, buf0, buf1,
                 isem0, isem1, osem0, osem1):
    cid = lax.axis_index("c")
    sid = lax.axis_index("s")
    wid = sid * NC + cid

    pltpu.sync_copy(ids_h, ids_v)
    iota = lax.iota(jnp.int32, L)
    big = jnp.int32(BIG)

    def scan_body(i, acc):
        v = ids_v[pl.ds(i * L, L)]
        return jnp.minimum(acc, jnp.where(v == IMAGE_TOKEN, i * L + iota, big))

    acc = lax.fori_loop(0, SEQ // L, scan_body, jnp.full((L,), big, jnp.int32))
    m_v[pl.ds(15, L)] = jnp.full((L,), big, jnp.int32)
    m_v[pl.ds(0, L)] = acc
    for sh in (8, 4, 2, 1):
        acc = jnp.minimum(acc, m_v[pl.ds(sh, L)])
        m_v[pl.ds(0, L)] = acc
    t = acc[0]
    sa = jnp.clip(t - LEAD, 0, SEQ - LEAD)
    st = jnp.clip(t + 1, 0, SEQ - TAIL)

    base = CPW * wid + jnp.minimum(wid, EXTRA)
    count = CPW + jnp.where(wid < EXTRA, 1, 0)

    def dst_of(c):
        return jnp.where(c == NCH - 1, OUT_LEN - CR, c * CR)

    def start_in(c, buf, sem):
        d = dst_of(c)
        cp_lead = pltpu.make_async_copy(text_h.at[pl.ds(sa + d, CR)], buf, sem)
        cp_img = pltpu.make_async_copy(img_h.at[pl.ds(d - B0, CR)], buf, sem)
        cp_tail = pltpu.make_async_copy(text_h.at[pl.ds(st + (d - B1), CR)], buf, sem)
        pl.when(c < B0 // CR)(cp_lead.start)
        pl.when((c >= B0 // CR) & (c < B1 // CR))(cp_img.start)
        pl.when(c >= B1 // CR)(cp_tail.start)

    def pair_body(i, carry):
        c0 = base + 2 * i
        c1 = c0 + 1
        v0 = 2 * i < count
        v1 = 2 * i + 1 < count
        cp_out0 = pltpu.make_async_copy(buf0, out_h.at[pl.ds(dst_of(c0), CR)], osem0)
        cp_out1 = pltpu.make_async_copy(buf1, out_h.at[pl.ds(dst_of(c1), CR)], osem1)

        @pl.when(v0)
        def _():
            start_in(c0, buf0, isem0)

        @pl.when(v1)
        def _():
            start_in(c1, buf1, isem1)

        @pl.when(v0)
        def _():
            pltpu.make_async_copy(text_h.at[pl.ds(0, CR)], buf0, isem0).wait()
            cp_out0.start()

        @pl.when(v1)
        def _():
            pltpu.make_async_copy(text_h.at[pl.ds(0, CR)], buf1, isem1).wait()
            cp_out1.start()

        @pl.when(v0)
        def _():
            cp_out0.wait()

        @pl.when(v1)
        def _():
            cp_out1.wait()

        return carry

    lax.fori_loop(0, (CPW + 2) // 2, pair_body, 0)

    @pl.when(wid == NW - 1)
    def _():
        pltpu.sync_copy(pos_h, pos_v.at[pl.ds(0, SEQ)])
        ps = pos_v[pl.ds(t, L)][0]
        pe = pos_v[pl.ds(jnp.minimum(t + 1, SEQ - 1), L)][0]
        step = (pe - ps) * jnp.float32(1.0 / (NIMG - 1))
        kbase = iota.astype(jnp.float32)

        def lead_body(i, c):
            pacc_v[pl.ds(i * L, L)] = pos_v[pl.ds(sa + i * L, L)]
            return c

        lax.fori_loop(0, B0 // L, lead_body, 0)

        def img_body(i, c):
            k = (i * L).astype(jnp.float32) + kbase
            pacc_v[pl.ds(B0 + i * L, L)] = ps + k * step
            return c

        lax.fori_loop(0, NIMG // L, img_body, 0)

        def tail_body(i, c):
            pacc_v[pl.ds(B1 + i * L, L)] = pos_v[pl.ds(st + i * L, L)]
            return c

        lax.fori_loop(0, TAIL // L, tail_body, 0)
        pacc_v[pl.ds(OUT_LEN - L, L)] = pos_v[pl.ds(st + TAIL - L, L)]
        pltpu.sync_copy(pacc_v, pos_out_h)


_fused = functools.partial(
    pl.kernel,
    out_type=(
        jax.ShapeDtypeStruct((OUT_LEN, EMB), jnp.float32),
        jax.ShapeDtypeStruct((OUT_LEN,), jnp.float32),
    ),
    mesh=plsc.VectorSubcoreMesh(core_axis_name="c", subcore_axis_name="s"),
    scratch_types=(
        pltpu.VMEM((SEQ,), jnp.int32),
        pltpu.VMEM((SEQ + L,), jnp.float32),
        pltpu.VMEM((OUT_LEN,), jnp.float32),
        pltpu.VMEM((15 + L,), jnp.int32),
        pltpu.VMEM((CR, EMB), jnp.float32),
        pltpu.VMEM((CR, EMB), jnp.float32),
        pltpu.SemaphoreType.DMA,
        pltpu.SemaphoreType.DMA,
        pltpu.SemaphoreType.DMA,
        pltpu.SemaphoreType.DMA,
    ),
    compiler_params=pltpu.CompilerParams(use_tc_tiling_on_sc=False),
)(_fusion_body)


def kernel(text_embeds, image_features, input_ids, positions):
    text = text_embeds.reshape(SEQ, EMB)
    img = image_features.reshape(NIMG, EMB)
    ids = input_ids.reshape(SEQ).astype(jnp.int32)
    pos = positions.reshape(SEQ).astype(jnp.float32)
    merged, new_pos = _fused(text, img, ids, pos)
    return merged, new_pos

# --- scband reference (transcript-rebuilt; emitter-appended) ---
"""Pipeline reference for scband-optimized-image-text-fusion-36223754175153 (READ-ONLY COPY).

The authoritative reference and input builder live on the scoring server;
editing this copy changes nothing except your own understanding.
"""

import jax, jax.numpy as jnp
import numpy as np

IMAGE_TOKEN_INDEX = 1024


def find_image_token_positions(input_ids, image_token_index):
    ids = np.asarray(input_ids)
    if ids.ndim == 1:
        ids = ids[None]
    positions = []
    for b in range(ids.shape[0]):
        idx = np.nonzero(ids[b] == image_token_index)[0]
        if len(idx) == 0:
            continue
        start = int(idx[0])
        end = start
        for i in range(1, len(idx)):
            if idx[i] == idx[i - 1] + 1:
                end = int(idx[i])
            else:
                positions.append((start, end + 1))
                start = int(idx[i])
                end = start
        positions.append((start, end + 1))
    return positions


def setup_inputs(seed: int = 0) -> dict:
    key = jax.random.key(seed)
    k1, k2 = jax.random.split(key)
    text_embeds = jax.random.normal(k1, (1, 4096, 2048), dtype=jnp.float32)
    image_features = jax.random.normal(k2, (1, 576, 2048), dtype=jnp.float32)
    input_ids = jnp.arange(1 * 4096, dtype=jnp.int32).reshape(1, 4096)
    positions = jnp.arange(1 * 4096, dtype=jnp.float32).reshape(1, 4096)
    return {"text_embeds": text_embeds, "image_features": image_features, "input_ids": input_ids, "positions": positions}


def reference(text_embeds, image_features, input_ids, positions):
    # faithful jax translation of OptimizedImageTextFusion._efficient_merge
    if text_embeds.ndim == 2:
        text_embeds = text_embeds[None]
    if image_features.ndim == 2:
        image_features = image_features[None]
    if positions.ndim == 1:
        positions = positions[None]
    batch_size, seq_len, embed_dim = text_embeds.shape
    num_image_tokens = image_features.shape[1]
    ids_static = np.arange(int(np.prod(input_ids.shape)), dtype=np.int32).reshape(input_ids.shape)
    image_positions = find_image_token_positions(ids_static, IMAGE_TOKEN_INDEX)
    if not image_positions:
        if batch_size == 1:
            return text_embeds[0], positions[0]
        return text_embeds, positions
    merged_rows = []
    pos_rows = []
    for b in range(batch_size):
        row_mask = input_ids[b] == IMAGE_TOKEN_INDEX
        seq_idx = jnp.arange(seq_len)
        src_idx = 0
        traced_src = jnp.asarray(0, dtype=seq_idx.dtype)
        chunks = []
        pchunks = []
        for (start, end) in image_positions:
            traced_start = jnp.argmax(row_mask & (seq_idx >= src_idx))
            traced_end = traced_start + (end - start)
            if start > src_idx:
                lead = start - src_idx
                chunks.append(jax.lax.dynamic_slice_in_dim(text_embeds[b], traced_start - lead, lead))
                pchunks.append(jax.lax.dynamic_slice_in_dim(positions[b], traced_start - lead, lead))
            img = image_features[b] if image_features.shape[0] > 1 else image_features[0]
            chunks.append(img)
            start_pos = positions[b][traced_start] if start < seq_len else positions[b, -1]
            end_pos = positions[b][jnp.minimum(traced_end, seq_len - 1)] if end < seq_len else positions[b, -1] + 1
            pchunks.append(jnp.linspace(start_pos, end_pos, num_image_tokens, dtype=positions.dtype))
            src_idx = end
            traced_src = traced_end
        if src_idx < seq_len:
            tail = seq_len - src_idx
            chunks.append(jax.lax.dynamic_slice_in_dim(text_embeds[b], traced_src, tail))
            pchunks.append(jax.lax.dynamic_slice_in_dim(positions[b], traced_src, tail))
        merged_rows.append(jnp.concatenate(chunks, axis=0))
        pos_rows.append(jnp.concatenate(pchunks, axis=0))
    merged = jnp.stack(merged_rows, axis=0)
    new_pos = jnp.stack(pos_rows, axis=0)
    if batch_size == 1:
        return merged[0], new_pos[0]
    return merged, new_pos

if __name__ == "__main__":
    import jax
    _d = setup_inputs()
    print(jax.jit(kernel)(*tuple(_d.values())))

</pallas_src>

<mosaic_0001>
#map = affine_map<(d0, d1) -> (0, 0)>
#map1 = affine_map<(d0, d1) -> (0)>
module attributes {stable_mosaic.version = 14 : i64} {
  func.func @_fusion_body(%arg0: i32, %arg1: i32, %arg2: memref<4096x2048xf32, #tpu.memory_space<hbm>>, %arg3: memref<576x2048xf32, #tpu.memory_space<hbm>>, %arg4: memref<4096xi32, #tpu.memory_space<hbm>>, %arg5: memref<4096xf32, #tpu.memory_space<hbm>>, %arg6: memref<4671x2048xf32, #tpu.memory_space<hbm>>, %arg7: memref<4671xf32, #tpu.memory_space<hbm>>, %arg8: memref<4096xi32, #tpu.memory_space<vmem>>, %arg9: memref<4112xf32, #tpu.memory_space<vmem>>, %arg10: memref<4671xf32, #tpu.memory_space<vmem>>, %arg11: memref<31xi32, #tpu.memory_space<vmem>>, %arg12: memref<16x2048xf32, #tpu.memory_space<vmem>>, %arg13: memref<16x2048xf32, #tpu.memory_space<vmem>>, %arg14: memref<!tpu.dma_semaphore, #tpu.memory_space<semaphore_mem>>, %arg15: memref<!tpu.dma_semaphore, #tpu.memory_space<semaphore_mem>>, %arg16: memref<!tpu.dma_semaphore, #tpu.memory_space<semaphore_mem>>, %arg17: memref<!tpu.dma_semaphore, #tpu.memory_space<semaphore_mem>>) attributes {dimension_semantics = [#tpu.dimension_semantics<core_parallel>, #tpu.dimension_semantics<subcore_parallel>], iteration_bounds = array<i64: 2, 16>, scalar_prefetch = 0 : i64, scratch_operands = 10 : i64, tpu.core_type = #tpu.core_type<sc_vector_subcore>, window_params = [{transform_indices = #map}, {transform_indices = #map}, {transform_indices = #map1}, {transform_indices = #map1}, {transform_indices = #map}, {transform_indices = #map1}]} {
    %mul3A = arith.constant 2 : i32
    %mul3A_0 = arith.muli %arg1, %mul3A : i32
    %add3A = arith.addi %mul3A_0, %arg0 : i32
    "tpu.region"() ({
      %run_scoped3A = tpu.sem_alloc : memref<!tpu.dma_semaphore, #tpu.memory_space<semaphore_mem>>
      tpu.enqueue_dma source(%arg4 : memref<4096xi32, #tpu.memory_space<hbm>>) target(%arg8 : memref<4096xi32, #tpu.memory_space<vmem>>) target_semaphore(%run_scoped3A : memref<!tpu.dma_semaphore, #tpu.memory_space<semaphore_mem>>)
      tpu.wait_dma2 semaphore(%run_scoped3A : memref<!tpu.dma_semaphore, #tpu.memory_space<semaphore_mem>>) src(%arg4 : memref<4096xi32, #tpu.memory_space<hbm>>) dst(%arg8 : memref<4096xi32, #tpu.memory_space<vmem>>)
      tpu.yield
    }) : () -> ()
    %iota3A = tpu.iota {dimensions = array<i32: 0>} : vector<16xi32>
    %broadcast_in_dim3A = arith.constant 1073741824 : i32
    %broadcast_in_dim3A_1 = vector.broadcast %broadcast_in_dim3A : i32 to vector<16xi32>
    %scan3A = arith.constant 1073741824 : i32
    %scan3A_2 = arith.constant 0 : i32
    %scan3A_3 = arith.constant 256 : i32
    %scan3A_4 = arith.addi %scan3A_2, %scan3A_3 : i32
    %scan3A_5 = arith.constant 1 : i32
    %scan3A_6 = scf.for %scan3A_74 = %scan3A_2 to %scan3A_4 step %scan3A_5 iter_args(%scan3A_75 = %broadcast_in_dim3A_1) -> (vector<16xi32>)  : i32 {
      %mul3A_76 = arith.constant 16 : i32
      %mul3A_77 = arith.muli %scan3A_74, %mul3A_76 : i32
      %get3A_78 = arith.index_cast %mul3A_77 : i32 to index
      %get3A_79 = tpu.vector_load %arg8[%get3A_78] {strides = array<i32>} : memref<4096xi32, #tpu.memory_space<vmem>>, vector<16xi32>,
      %get3A_80 = vector.shape_cast %get3A_79 : vector<16xi32> to vector<16xi32>
      %eq3A_81 = arith.constant 1024 : i32
      %eq3A_82 = vector.broadcast %eq3A_81 : i32 to vector<16xi32>
      %eq3A_83 = arith.cmpi eq, %get3A_80, %eq3A_82 : vector<16xi32>
      %mul3A_84 = arith.constant 16 : i32
      %mul3A_85 = arith.muli %scan3A_74, %mul3A_84 : i32
      %add3A_86 = vector.broadcast %mul3A_85 : i32 to vector<16xi32>
      %add3A_87 = arith.addi %add3A_86, %iota3A : vector<16xi32>
      %broadcast_in_dim3A_88 = vector.broadcast %scan3A : i32 to vector<16xi32>
      %select_n3A_89 = arith.select %eq3A_83, %add3A_87, %broadcast_in_dim3A_88 : vector<16xi1>, vector<16xi32>
      %min3A_90 = arith.minsi %scan3A_75, %select_n3A_89 : vector<16xi32>
      scf.yield %min3A_90 : vector<16xi32>
    }
    %scan3A_7 = arith.constant 256 : i32
    %broadcast_in_dim3A_8 = arith.constant 1073741824 : i32
    %broadcast_in_dim3A_9 = vector.broadcast %broadcast_in_dim3A_8 : i32 to vector<16xi32>
    %swap3A = arith.constant 15 : index
    %swap3A_10 = tpu.vector_load %arg11[%swap3A] {strides = array<i32>} : memref<31xi32, #tpu.memory_space<vmem>>, vector<16xi32>,
    %swap3A_11 = vector.shape_cast %swap3A_10 : vector<16xi32> to vector<16xi32>
    %swap3A_12 = vector.shape_cast %broadcast_in_dim3A_9 : vector<16xi32> to vector<16xi32>
    tpu.vector_store %arg11[%swap3A], %swap3A_12 {strides = array<i32>} : memref<31xi32, #tpu.memory_space<vmem>>, vector<16xi32>,
    %swap3A_13 = arith.constant 0 : index
    %swap3A_14 = tpu.vector_load %arg11[%swap3A_13] {strides = array<i32>} : memref<31xi32, #tpu.memory_space<vmem>>, vector<16xi32>,
    %swap3A_15 = vector.shape_cast %swap3A_14 : vector<16xi32> to vector<16xi32>
    %swap3A_16 = vector.shape_cast %scan3A_6 : vector<16xi32> to vector<16xi32>
    tpu.vector_store %arg11[%swap3A_13], %swap3A_16 {strides = array<i32>} : memref<31xi32, #tpu.memory_space<vmem>>, vector<16xi32>,
    %get3A = arith.constant 8 : index
    %get3A_17 = tpu.vector_load %arg11[%get3A] {strides = array<i32>} : memref<31xi32, #tpu.memory_space<vmem>>, vector<16xi32>,
    %get3A_18 = vector.shape_cast %get3A_17 : vector<16xi32> to vector<16xi32>
    %min3A = arith.minsi %scan3A_6, %get3A_18 : vector<16xi32>
    %swap3A_19 = arith.constant 0 : index
    %swap3A_20 = tpu.vector_load %arg11[%swap3A_19] {strides = array<i32>} : memref<31xi32, #tpu.memory_space<vmem>>, vector<16xi32>,
    %swap3A_21 = vector.shape_cast %swap3A_20 : vector<16xi32> to vector<16xi32>
    %swap3A_22 = vector.shape_cast %min3A : vector<16xi32> to vector<16xi32>
    tpu.vector_store %arg11[%swap3A_19], %swap3A_22 {strides = array<i32>} : memref<31xi32, #tpu.memory_space<vmem>>, vector<16xi32>,
    %get3A_23 = arith.constant 4 : index
    %get3A_24 = tpu.vector_load %arg11[%get3A_23] {strides = array<i32>} : memref<31xi32, #tpu.memory_space<vmem>>, vector<16xi32>,
    %get3A_25 = vector.shape_cast %get3A_24 : vector<16xi32> to vector<16xi32>
    %min3A_26 = arith.minsi %min3A, %get3A_25 : vector<16xi32>
    %swap3A_27 = arith.constant 0 : index
    %swap3A_28 = tpu.vector_load %arg11[%swap3A_27] {strides = array<i32>} : memref<31xi32, #tpu.memory_space<vmem>>, vector<16xi32>,
    %swap3A_29 = vector.shape_cast %swap3A_28 : vector<16xi32> to vector<16xi32>
    %swap3A_30 = vector.shape_cast %min3A_26 : vector<16xi32> to vector<16xi32>
    tpu.vector_store %arg11[%swap3A_27], %swap3A_30 {strides = array<i32>} : memref<31xi32, #tpu.memory_space<vmem>>, vector<16xi32>,
    %get3A_31 = arith.constant 2 : index
    %get3A_32 = tpu.vector_load %arg11[%get3A_31] {strides = array<i32>} : memref<31xi32, #tpu.memory_space<vmem>>, vector<16xi32>,
    %get3A_33 = vector.shape_cast %get3A_32 : vector<16xi32> to vector<16xi32>
    %min3A_34 = arith.minsi %min3A_26, %get3A_33 : vector<16xi32>
    %swap3A_35 = arith.constant 0 : index
    %swap3A_36 = tpu.vector_load %arg11[%swap3A_35] {strides = array<i32>} : memref<31xi32, #tpu.memory_space<vmem>>, vector<16xi32>,
    %swap3A_37 = vector.shape_cast %swap3A_36 : vector<16xi32> to vector<16xi32>
    %swap3A_38 = vector.shape_cast %min3A_34 : vector<16xi32> to vector<16xi32>
    tpu.vector_store %arg11[%swap3A_35], %swap3A_38 {strides = array<i32>} : memref<31xi32, #tpu.memory_space<vmem>>, vector<16xi32>,
    %get3A_39 = arith.constant 1 : index
    %get3A_40 = tpu.vector_load %arg11[%get3A_39] {strides = array<i32>} : memref<31xi32, #tpu.memory_space<vmem>>, vector<16xi32>,
    %get3A_41 = vector.shape_cast %get3A_40 : vector<16xi32> to vector<16xi32>
    %min3A_42 = arith.minsi %min3A_34, %get3A_41 : vector<16xi32>
    %swap3A_43 = arith.constant 0 : index
    %swap3A_44 = tpu.vector_load %arg11[%swap3A_43] {strides = array<i32>} : memref<31xi32, #tpu.memory_space<vmem>>, vector<16xi32>,
    %swap3A_45 = vector.shape_cast %swap3A_44 : vector<16xi32> to vector<16xi32>
    %swap3A_46 = vector.shape_cast %min3A_42 : vector<16xi32> to vector<16xi32>
    tpu.vector_store %arg11[%swap3A_43], %swap3A_46 {strides = array<i32>} : memref<31xi32, #tpu.memory_space<vmem>>, vector<16xi32>,
    %slice3A = vector.extract_strided_slice %min3A_42 {offsets = [0], sizes = [1], strides = [1]} : vector<16xi32> to vector<1xi32>
    %squeeze3A = vector.extract %slice3A[0] : i32 from vector<1xi32>
    %sub3A = arith.constant 1024 : i32
    %sub3A_47 = arith.subi %squeeze3A, %sub3A : i32
    %jit3A = arith.constant 0 : i32
    %jit3A_48 = arith.constant 3072 : i32
    %max3A = arith.maxsi %jit3A, %sub3A_47 : i32
    %min3A_49 = arith.minsi %jit3A_48, %max3A : i32
    %add3A_50 = arith.constant 1 : i32
    %add3A_51 = arith.addi %squeeze3A, %add3A_50 : i32
    %jit3A_52 = arith.constant 0 : i32
    %jit3A_53 = arith.constant 1025 : i32
    %max3A_54 = arith.maxsi %jit3A_52, %add3A_51 : i32
    %min3A_55 = arith.minsi %jit3A_53, %max3A_54 : i32
    %mul3A_56 = arith.constant 9 : i32
    %mul3A_57 = arith.muli %mul3A_56, %add3A : i32
    %min3A_58 = arith.constant 4 : i32
    %min3A_59 = arith.minsi %add3A, %min3A_58 : i32
    %add3A_60 = arith.addi %mul3A_57, %min3A_59 : i32
    %lt3A = arith.constant 4 : i32
    %lt3A_61 = arith.cmpi slt, %add3A, %lt3A : i32
    %jit3A_62 = arith.constant 1 : i32
    %jit3A_63 = arith.constant 0 : i32
    %select_n3A = arith.select %lt3A_61, %jit3A_62, %jit3A_63 : i32
    %add3A_64 = arith.constant 9 : i32
    %add3A_65 = arith.addi %add3A_64, %select_n3A : i32
    %scan3A_66 = arith.constant 0 : i32
    %scan3A_67 = arith.constant 0 : i32
    %scan3A_68 = arith.constant 5 : i32
    %scan3A_69 = arith.addi %scan3A_67, %scan3A_68 : i32
    %scan3A_70 = arith.constant 1 : i32
    scf.for %scan3A_74 = %scan3A_67 to %scan3A_69 step %scan3A_70  : i32 {
      %mul3A_75 = arith.constant 2 : i32
      %mul3A_76 = arith.muli %mul3A_75, %scan3A_74 : i32
      %add3A_77 = arith.addi %add3A_60, %mul3A_76 : i32
      %add3A_78 = arith.constant 1 : i32
      %add3A_79 = arith.addi %add3A_77, %add3A_78 : i32
      %mul3A_80 = arith.constant 2 : i32
      %mul3A_81 = arith.muli %mul3A_80, %scan3A_74 : i32
      %lt3A_82 = arith.cmpi slt, %mul3A_81, %add3A_65 : i32
      %mul3A_83 = arith.constant 2 : i32
      %mul3A_84 = arith.muli %mul3A_83, %scan3A_74 : i32
      %add3A_85 = arith.constant 1 : i32
      %add3A_86 = arith.addi %mul3A_84, %add3A_85 : i32
      %lt3A_87 = arith.cmpi slt, %add3A_86, %add3A_65 : i32
      %eq3A_88 = arith.constant 291 : i32
      %eq3A_89 = arith.cmpi eq, %add3A_77, %eq3A_88 : i32
      %mul3A_90 = arith.constant 16 : i32
      %mul3A_91 = arith.muli %add3A_77, %mul3A_90 : i32
      %jit3A_92 = arith.constant 4655 : i32
      %select_n3A_93 = arith.select %eq3A_89, %jit3A_92, %mul3A_91 : i32
      %eq3A_94 = arith.constant 291 : i32
      %eq3A_95 = arith.cmpi eq, %add3A_79, %eq3A_94 : i32
      %mul3A_96 = arith.constant 16 : i32
      %mul3A_97 = arith.muli %add3A_79, %mul3A_96 : i32
      %jit3A_98 = arith.constant 4655 : i32
      %select_n3A_99 = arith.select %eq3A_95, %jit3A_98, %mul3A_97 : i32
      %convert_element_type3A_100 = arith.extui %lt3A_82 : i1 to i32
      %cond3A_101 = arith.constant 0 : i32
      %cond3A_102 = arith.cmpi ne, %convert_element_type3A_100, %cond3A_101 : i32
      scf.if %cond3A_102 {
        %eq3A_118 = arith.constant 291 : i32
        %eq3A_119 = arith.cmpi eq, %add3A_77, %eq3A_118 : i32
        %mul3A_120 = arith.constant 16 : i32
        %mul3A_121 = arith.muli %add3A_77, %mul3A_120 : i32
        %jit3A_122 = arith.constant 4655 : i32
        %select_n3A_123 = arith.select %eq3A_119, %jit3A_122, %mul3A_121 : i32
        %add3A_124 = arith.addi %min3A_49, %select_n3A_123 : i32
        %sub3A_125 = arith.constant 1024 : i32
        %sub3A_126 = arith.subi %select_n3A_123, %sub3A_125 : i32
        %sub3A_127 = arith.constant 1600 : i32
        %sub3A_128 = arith.subi %select_n3A_123, %sub3A_127 : i32
        %add3A_129 = arith.addi %min3A_55, %sub3A_128 : i32
        %lt3A_130 = arith.constant 64 : i32
        %lt3A_131 = arith.cmpi slt, %add3A_77, %lt3A_130 : i32
        %convert_element_type3A_132 = arith.extui %lt3A_131 : i1 to i32
        %cond3A_133 = arith.constant 0 : i32
        %cond3A_134 = arith.cmpi ne, %convert_element_type3A_132, %cond3A_133 : i32
        scf.if %cond3A_134 {
          %dma_start3A = arith.constant 0 : i32
          %dma_start3A_146 = tpu.memref_slice %arg2[%add3A_124, %dma_start3A] : memref<4096x2048xf32, #tpu.memory_space<hbm>> -> memref<16x2048xf32, #tpu.memory_space<hbm>>
          %dma_start3A_147 = arith.constant 0 : i32
          %dma_start3A_148 = tpu.memref_slice %arg2[%add3A_124, %dma_start3A_147] : memref<4096x2048xf32, #tpu.memory_space<hbm>> -> memref<16x2048xf32, #tpu.memory_space<hbm>>
          tpu.enqueue_dma source(%dma_start3A_148 : memref<16x2048xf32, #tpu.memory_space<hbm>>) target(%arg12 : memref<16x2048xf32, #tpu.memory_space<vmem>>) target_semaphore(%arg14 : memref<!tpu.dma_semaphore, #tpu.memory_space<semaphore_mem>>)
        } else {
        }
        %ge3A = arith.constant 64 : i32
        %ge3A_135 = arith.cmpi sge, %add3A_77, %ge3A : i32
        %lt3A_136 = arith.constant 100 : i32
        %lt3A_137 = arith.cmpi slt, %add3A_77, %lt3A_136 : i32
        %and3A = arith.andi %ge3A_135, %lt3A_137 : i1
        %convert_element_type3A_138 = arith.extui %and3A : i1 to i32
        %cond3A_139 = arith.constant 0 : i32
        %cond3A_140 = arith.cmpi ne, %convert_element_type3A_138, %cond3A_139 : i32
        scf.if %cond3A_140 {
          %dma_start3A = arith.constant 0 : i32
          %dma_start3A_146 = tpu.memref_slice %arg3[%sub3A_126, %dma_start3A] : memref<576x2048xf32, #tpu.memory_space<hbm>> -> memref<16x2048xf32, #tpu.memory_space<hbm>>
          %dma_start3A_147 = arith.constant 0 : i32
          %dma_start3A_148 = tpu.memref_slice %arg3[%sub3A_126, %dma_start3A_147] : memref<576x2048xf32, #tpu.memory_space<hbm>> -> memref<16x2048xf32, #tpu.memory_space<hbm>>
          tpu.enqueue_dma source(%dma_start3A_148 : memref<16x2048xf32, #tpu.memory_space<hbm>>) target(%arg12 : memref<16x2048xf32, #tpu.memory_space<vmem>>) target_semaphore(%arg14 : memref<!tpu.dma_semaphore, #tpu.memory_space<semaphore_mem>>)
        } else {
        }
        %ge3A_141 = arith.constant 100 : i32
        %ge3A_142 = arith.cmpi sge, %add3A_77, %ge3A_141 : i32
        %convert_element_type3A_143 = arith.extui %ge3A_142 : i1 to i32
        %cond3A_144 = arith.constant 0 : i32
        %cond3A_145 = arith.cmpi ne, %convert_element_type3A_143, %cond3A_144 : i32
        scf.if %cond3A_145 {
          %dma_start3A = arith.constant 0 : i32
          %dma_start3A_146 = tpu.memref_slice %arg2[%add3A_129, %dma_start3A] : memref<4096x2048xf32, #tpu.memory_space<hbm>> -> memref<16x2048xf32, #tpu.memory_space<hbm>>
          %dma_start3A_147 = arith.constant 0 : i32
          %dma_start3A_148 = tpu.memref_slice %arg2[%add3A_129, %dma_start3A_147] : memref<4096x2048xf32, #tpu.memory_space<hbm>> -> memref<16x2048xf32, #tpu.memory_space<hbm>>
          tpu.enqueue_dma source(%dma_start3A_148 : memref<16x2048xf32, #tpu.memory_space<hbm>>) target(%arg12 : memref<16x2048xf32, #tpu.memory_space<vmem>>) target_semaphore(%arg14 : memref<!tpu.dma_semaphore, #tpu.memory_space<semaphore_mem>>)
        } else {
        }
      } else {
      }
      %convert_element_type3A_103 = arith.extui %lt3A_87 : i1 to i32
      %cond3A_104 = arith.constant 0 : i32
      %cond3A_105 = arith.cmpi ne, %convert_element_type3A_103, %cond3A_104 : i32
      scf.if %cond3A_105 {
        %eq3A_118 = arith.constant 291 : i32
        %eq3A_119 = arith.cmpi eq, %add3A_79, %eq3A_118 : i32
        %mul3A_120 = arith.constant 16 : i32
        %mul3A_121 = arith.muli %add3A_79, %mul3A_120 : i32
        %jit3A_122 = arith.constant 4655 : i32
        %select_n3A_123 = arith.select %eq3A_119, %jit3A_122, %mul3A_121 : i32
        %add3A_124 = arith.addi %min3A_49, %select_n3A_123 : i32
        %sub3A_125 = arith.constant 1024 : i32
        %sub3A_126 = arith.subi %select_n3A_123, %sub3A_125 : i32
        %sub3A_127 = arith.constant 1600 : i32
        %sub3A_128 = arith.subi %select_n3A_123, %sub3A_127 : i32
        %add3A_129 = arith.addi %min3A_55, %sub3A_128 : i32
        %lt3A_130 = arith.constant 64 : i32
        %lt3A_131 = arith.cmpi slt, %add3A_79, %lt3A_130 : i32
        %convert_element_type3A_132 = arith.extui %lt3A_131 : i1 to i32
        %cond3A_133 = arith.constant 0 : i32
        %cond3A_134 = arith.cmpi ne, %convert_element_type3A_132, %cond3A_133 : i32
        scf.if %cond3A_134 {
          %dma_start3A = arith.constant 0 : i32
          %dma_start3A_146 = tpu.memref_slice %arg2[%add3A_124, %dma_start3A] : memref<4096x2048xf32, #tpu.memory_space<hbm>> -> memref<16x2048xf32, #tpu.memory_space<hbm>>
          %dma_start3A_147 = arith.constant 0 : i32
          %dma_start3A_148 = tpu.memref_slice %arg2[%add3A_124, %dma_start3A_147] : memref<4096x2048xf32, #tpu.memory_space<hbm>> -> memref<16x2048xf32, #tpu.memory_space<hbm>>
          tpu.enqueue_dma source(%dma_start3A_148 : memref<16x2048xf32, #tpu.memory_space<hbm>>) target(%arg13 : memref<16x2048xf32, #tpu.memory_space<vmem>>) target_semaphore(%arg15 : memref<!tpu.dma_semaphore, #tpu.memory_space<semaphore_mem>>)
        } else {
        }
        %ge3A = arith.constant 64 : i32
        %ge3A_135 = arith.cmpi sge, %add3A_79, %ge3A : i32
        %lt3A_136 = arith.constant 100 : i32
        %lt3A_137 = arith.cmpi slt, %add3A_79, %lt3A_136 : i32
        %and3A = arith.andi %ge3A_135, %lt3A_137 : i1
        %convert_element_type3A_138 = arith.extui %and3A : i1 to i32
        %cond3A_139 = arith.constant 0 : i32
        %cond3A_140 = arith.cmpi ne, %convert_element_type3A_138, %cond3A_139 : i32
        scf.if %cond3A_140 {
          %dma_start3A = arith.constant 0 : i32
          %dma_start3A_146 = tpu.memref_slice %arg3[%sub3A_126, %dma_start3A] : memref<576x2048xf32, #tpu.memory_space<hbm>> -> memref<16x2048xf32, #tpu.memory_space<hbm>>
          %dma_start3A_147 = arith.constant 0 : i32
          %dma_start3A_148 = tpu.memref_slice %arg3[%sub3A_126, %dma_start3A_147] : memref<576x2048xf32, #tpu.memory_space<hbm>> -> memref<16x2048xf32, #tpu.memory_space<hbm>>
          tpu.enqueue_dma source(%dma_start3A_148 : memref<16x2048xf32, #tpu.memory_space<hbm>>) target(%arg13 : memref<16x2048xf32, #tpu.memory_space<vmem>>) target_semaphore(%arg15 : memref<!tpu.dma_semaphore, #tpu.memory_space<semaphore_mem>>)
        } else {
        }
        %ge3A_141 = arith.constant 100 : i32
        %ge3A_142 = arith.cmpi sge, %add3A_79, %ge3A_141 : i32
        %convert_element_type3A_143 = arith.extui %ge3A_142 : i1 to i32
        %cond3A_144 = arith.constant 0 : i32
        %cond3A_145 = arith.cmpi ne, %convert_element_type3A_143, %cond3A_144 : i32
        scf.if %cond3A_145 {
          %dma_start3A = arith.constant 0 : i32
          %dma_start3A_146 = tpu.memref_slice %arg2[%add3A_129, %dma_start3A] : memref<4096x2048xf32, #tpu.memory_space<hbm>> -> memref<16x2048xf32, #tpu.memory_space<hbm>>
          %dma_start3A_147 = arith.constant 0 : i32
          %dma_start3A_148 = tpu.memref_slice %arg2[%add3A_129, %dma_start3A_147] : memref<4096x2048xf32, #tpu.memory_space<hbm>> -> memref<16x2048xf32, #tpu.memory_space<hbm>>
          tpu.enqueue_dma source(%dma_start3A_148 : memref<16x2048xf32, #tpu.memory_space<hbm>>) target(%arg13 : memref<16x2048xf32, #tpu.memory_space<vmem>>) target_semaphore(%arg15 : memref<!tpu.dma_semaphore, #tpu.memory_space<semaphore_mem>>)
        } else {
        }
      } else {
      }
      %convert_element_type3A_106 = arith.extui %lt3A_82 : i1 to i32
      %cond3A_107 = arith.constant 0 : i32
      %cond3A_108 = arith.cmpi ne, %convert_element_type3A_106, %cond3A_107 : i32
      scf.if %cond3A_108 {
        %dma_wait3A = arith.constant 0 : i32
        %dma_wait3A_118 = arith.constant 0 : i32
        %dma_wait3A_119 = tpu.memref_slice %arg2[%dma_wait3A, %dma_wait3A_118] : memref<4096x2048xf32, #tpu.memory_space<hbm>> -> memref<16x2048xf32, #tpu.memory_space<hbm>>
        %dma_wait3A_120 = arith.constant 0 : i32
        %dma_wait3A_121 = arith.constant 0 : i32
        %dma_wait3A_122 = tpu.memref_slice %arg2[%dma_wait3A_120, %dma_wait3A_121] : memref<4096x2048xf32, #tpu.memory_space<hbm>> -> memref<16x2048xf32, #tpu.memory_space<hbm>>
        tpu.wait_dma2 semaphore(%arg14 : memref<!tpu.dma_semaphore, #tpu.memory_space<semaphore_mem>>) src(%dma_wait3A_122 : memref<16x2048xf32, #tpu.memory_space<hbm>>) dst(%arg12 : memref<16x2048xf32, #tpu.memory_space<vmem>>)
        %dma_start3A = arith.constant 0 : i32
        %dma_start3A_123 = tpu.memref_slice %arg6[%select_n3A_93, %dma_start3A] : memref<4671x2048xf32, #tpu.memory_space<hbm>> -> memref<16x2048xf32, #tpu.memory_space<hbm>>
        %dma_start3A_124 = arith.constant 0 : i32
        %dma_start3A_125 = tpu.memref_slice %arg6[%select_n3A_93, %dma_start3A_124] : memref<4671x2048xf32, #tpu.memory_space<hbm>> -> memref<16x2048xf32, #tpu.memory_space<hbm>>
        tpu.enqueue_dma source(%arg12 : memref<16x2048xf32, #tpu.memory_space<vmem>>) target(%dma_start3A_125 : memref<16x2048xf32, #tpu.memory_space<hbm>>) target_semaphore(%arg16 : memref<!tpu.dma_semaphore, #tpu.memory_space<semaphore_mem>>)
      } else {
      }
      %convert_element_type3A_109 = arith.extui %lt3A_87 : i1 to i32
      %cond3A_110 = arith.constant 0 : i32
      %cond3A_111 = arith.cmpi ne, %convert_element_type3A_109, %cond3A_110 : i32
      scf.if %cond3A_111 {
        %dma_wait3A = arith.constant 0 : i32
        %dma_wait3A_118 = arith.constant 0 : i32
        %dma_wait3A_119 = tpu.memref_slice %arg2[%dma_wait3A, %dma_wait3A_118] : memref<4096x2048xf32, #tpu.memory_space<hbm>> -> memref<16x2048xf32, #tpu.memory_space<hbm>>
        %dma_wait3A_120 = arith.constant 0 : i32
        %dma_wait3A_121 = arith.constant 0 : i32
        %dma_wait3A_122 = tpu.memref_slice %arg2[%dma_wait3A_120, %dma_wait3A_121] : memref<4096x2048xf32, #tpu.memory_space<hbm>> -> memref<16x2048xf32, #tpu.memory_space<hbm>>
        tpu.wait_dma2 semaphore(%arg15 : memref<!tpu.dma_semaphore, #tpu.memory_space<semaphore_mem>>) src(%dma_wait3A_122 : memref<16x2048xf32, #tpu.memory_space<hbm>>) dst(%arg13 : memref<16x2048xf32, #tpu.memory_space<vmem>>)
        %dma_start3A = arith.constant 0 : i32
        %dma_start3A_123 = tpu.memref_slice %arg6[%select_n3A_99, %dma_start3A] : memref<4671x2048xf32, #tpu.memory_space<hbm>> -> memref<16x2048xf32, #tpu.memory_space<hbm>>
        %dma_start3A_124 = arith.constant 0 : i32
        %dma_start3A_125 = tpu.memref_slice %arg6[%select_n3A_99, %dma_start3A_124] : memref<4671x2048xf32, #tpu.memory_space<hbm>> -> memref<16x2048xf32, #tpu.memory_space<hbm>>
        tpu.enqueue_dma source(%arg13 : memref<16x2048xf32, #tpu.memory_space<vmem>>) target(%dma_start3A_125 : memref<16x2048xf32, #tpu.memory_space<hbm>>) target_semaphore(%arg17 : memref<!tpu.dma_semaphore, #tpu.memory_space<semaphore_mem>>)
      } else {
      }
      %convert_element_type3A_112 = arith.extui %lt3A_82 : i1 to i32
      %cond3A_113 = arith.constant 0 : i32
      %cond3A_114 = arith.cmpi ne, %convert_element_type3A_112, %cond3A_113 : i32
      scf.if %cond3A_114 {
        %dma_wait3A = arith.constant 0 : i32
        %dma_wait3A_118 = tpu.memref_slice %arg6[%select_n3A_93, %dma_wait3A] : memref<4671x2048xf32, #tpu.memory_space<hbm>> -> memref<16x2048xf32, #tpu.memory_space<hbm>>
        %dma_wait3A_119 = arith.constant 0 : i32
        %dma_wait3A_120 = tpu.memref_slice %arg6[%select_n3A_93, %dma_wait3A_119] : memref<4671x2048xf32, #tpu.memory_space<hbm>> -> memref<16x2048xf32, #tpu.memory_space<hbm>>
        tpu.wait_dma2 semaphore(%arg16 : memref<!tpu.dma_semaphore, #tpu.memory_space<semaphore_mem>>) src(%arg12 : memref<16x2048xf32, #tpu.memory_space<vmem>>) dst(%dma_wait3A_120 : memref<16x2048xf32, #tpu.memory_space<hbm>>)
      } else {
      }
      %convert_element_type3A_115 = arith.extui %lt3A_87 : i1 to i32
      %cond3A_116 = arith.constant 0 : i32
      %cond3A_117 = arith.cmpi ne, %convert_element_type3A_115, %cond3A_116 : i32
      scf.if %cond3A_117 {
        %dma_wait3A = arith.constant 0 : i32
        %dma_wait3A_118 = tpu.memref_slice %arg6[%select_n3A_99, %dma_wait3A] : memref<4671x2048xf32, #tpu.memory_space<hbm>> -> memref<16x2048xf32, #tpu.memory_space<hbm>>
        %dma_wait3A_119 = arith.constant 0 : i32
        %dma_wait3A_120 = tpu.memref_slice %arg6[%select_n3A_99, %dma_wait3A_119] : memref<4671x2048xf32, #tpu.memory_space<hbm>> -> memref<16x2048xf32, #tpu.memory_space<hbm>>
        tpu.wait_dma2 semaphore(%arg17 : memref<!tpu.dma_semaphore, #tpu.memory_space<semaphore_mem>>) src(%arg13 : memref<16x2048xf32, #tpu.memory_space<vmem>>) dst(%dma_wait3A_120 : memref<16x2048xf32, #tpu.memory_space<hbm>>)
      } else {
      }
    }
    %scan3A_71 = arith.constant 5 : i32
    %eq3A = arith.constant 31 : i32
    %eq3A_72 = arith.cmpi eq, %add3A, %eq3A : i32
    %convert_element_type3A = arith.extui %eq3A_72 : i1 to i32
    %cond3A = arith.constant 0 : i32
    %cond3A_73 = arith.cmpi ne, %convert_element_type3A, %cond3A : i32
    scf.if %cond3A_73 {
      "tpu.region"() ({
        %run_scoped3A = tpu.sem_alloc : memref<!tpu.dma_semaphore, #tpu.memory_space<semaphore_mem>>
        %dma_start3A = arith.constant 0 : i32
        %dma_start3A_121 = tpu.memref_slice %arg9[%dma_start3A] : memref<4112xf32, #tpu.memory_space<vmem>> -> memref<4096xf32, #tpu.memory_space<vmem>>
        %dma_start3A_122 = arith.constant 0 : i32
        %dma_start3A_123 = tpu.memref_slice %arg9[%dma_start3A_122] : memref<4112xf32, #tpu.memory_space<vmem>> -> memref<4096xf32, #tpu.memory_space<vmem>>
        tpu.enqueue_dma source(%arg5 : memref<4096xf32, #tpu.memory_space<hbm>>) target(%dma_start3A_123 : memref<4096xf32, #tpu.memory_space<vmem>>) target_semaphore(%run_scoped3A : memref<!tpu.dma_semaphore, #tpu.memory_space<semaphore_mem>>)
        %dma_wait3A = arith.constant 0 : i32
        %dma_wait3A_124 = tpu.memref_slice %arg9[%dma_wait3A] : memref<4112xf32, #tpu.memory_space<vmem>> -> memref<4096xf32, #tpu.memory_space<vmem>>
        %dma_wait3A_125 = arith.constant 0 : i32
        %dma_wait3A_126 = tpu.memref_slice %arg9[%dma_wait3A_125] : memref<4112xf32, #tpu.memory_space<vmem>> -> memref<4096xf32, #tpu.memory_space<vmem>>
        tpu.wait_dma2 semaphore(%run_scoped3A : memref<!tpu.dma_semaphore, #tpu.memory_space<semaphore_mem>>) src(%arg5 : memref<4096xf32, #tpu.memory_space<hbm>>) dst(%dma_wait3A_126 : memref<4096xf32, #tpu.memory_space<vmem>>)
        tpu.yield
      }) : () -> ()
      %get3A_74 = arith.index_cast %squeeze3A : i32 to index
      %get3A_75 = tpu.vector_load %arg9[%get3A_74] {strides = array<i32>} : memref<4112xf32, #tpu.memory_space<vmem>>, vector<16xf32>,
      %get3A_76 = vector.shape_cast %get3A_75 : vector<16xf32> to vector<16xf32>
      %slice3A_77 = vector.extract_strided_slice %get3A_76 {offsets = [0], sizes = [1], strides = [1]} : vector<16xf32> to vector<1xf32>
      %squeeze3A_78 = vector.extract %slice3A_77[0] : f32 from vector<1xf32>
      %add3A_79 = arith.constant 1 : i32
      %add3A_80 = arith.addi %squeeze3A, %add3A_79 : i32
      %min3A_81 = arith.constant 4095 : i32
      %min3A_82 = arith.minsi %add3A_80, %min3A_81 : i32
      %get3A_83 = arith.index_cast %min3A_82 : i32 to index
      %get3A_84 = tpu.vector_load %arg9[%get3A_83] {strides = array<i32>} : memref<4112xf32, #tpu.memory_space<vmem>>, vector<16xf32>,
      %get3A_85 = vector.shape_cast %get3A_84 : vector<16xf32> to vector<16xf32>
      %slice3A_86 = vector.extract_strided_slice %get3A_85 {offsets = [0], sizes = [1], strides = [1]} : vector<16xf32> to vector<1xf32>
      %squeeze3A_87 = vector.extract %slice3A_86[0] : f32 from vector<1xf32>
      %sub3A_88 = arith.subf %squeeze3A_87, %squeeze3A_78 : f32
      %mul3A_89 = arith.constant 0.00173913047 : f32
      %mul3A_90 = arith.mulf %sub3A_88, %mul3A_89 : f32
      %convert_element_type3A_91 = arith.sitofp %iota3A : vector<16xi32> to vector<16xf32>
      %scan3A_92 = arith.constant 0 : i32
      %scan3A_93 = arith.constant 0 : i32
      %scan3A_94 = arith.constant 64 : i32
      %scan3A_95 = arith.addi %scan3A_93, %scan3A_94 : i32
      %scan3A_96 = arith.constant 1 : i32
      scf.for %scan3A_121 = %scan3A_93 to %scan3A_95 step %scan3A_96  : i32 {
        %mul3A_122 = arith.constant 16 : i32
        %mul3A_123 = arith.muli %scan3A_121, %mul3A_122 : i32
        %add3A_124 = arith.addi %min3A_49, %mul3A_123 : i32
        %get3A_125 = arith.index_cast %add3A_124 : i32 to index
        %get3A_126 = tpu.vector_load %arg9[%get3A_125] {strides = array<i32>} : memref<4112xf32, #tpu.memory_space<vmem>>, vector<16xf32>,
        %get3A_127 = vector.shape_cast %get3A_126 : vector<16xf32> to vector<16xf32>
        %mul3A_128 = arith.constant 16 : i32
        %mul3A_129 = arith.muli %scan3A_121, %mul3A_128 : i32
        %swap3A_130 = arith.index_cast %mul3A_129 : i32 to index
        %swap3A_131 = tpu.vector_load %arg10[%swap3A_130] {strides = array<i32>} : memref<4671xf32, #tpu.memory_space<vmem>>, vector<16xf32>,
        %swap3A_132 = vector.shape_cast %swap3A_131 : vector<16xf32> to vector<16xf32>
        %swap3A_133 = vector.shape_cast %get3A_127 : vector<16xf32> to vector<16xf32>
        tpu.vector_store %arg10[%swap3A_130], %swap3A_133 {strides = array<i32>} : memref<4671xf32, #tpu.memory_space<vmem>>, vector<16xf32>,
      }
      %scan3A_97 = arith.constant 64 : i32
      %scan3A_98 = arith.constant 0 : i32
      %scan3A_99 = arith.constant 0 : i32
      %scan3A_100 = arith.constant 36 : i32
      %scan3A_101 = arith.addi %scan3A_99, %scan3A_100 : i32
      %scan3A_102 = arith.constant 1 : i32
      scf.for %scan3A_121 = %scan3A_99 to %scan3A_101 step %scan3A_102  : i32 {
        %mul3A_122 = arith.constant 16 : i32
        %mul3A_123 = arith.muli %scan3A_121, %mul3A_122 : i32
        %convert_element_type3A_124 = arith.sitofp %mul3A_123 : i32 to f32
        %add3A_125 = vector.broadcast %convert_element_type3A_124 : f32 to vector<16xf32>
        %add3A_126 = arith.addf %add3A_125, %convert_element_type3A_91 : vector<16xf32>
        %mul3A_127 = vector.broadcast %mul3A_90 : f32 to vector<16xf32>
        %mul3A_128 = arith.mulf %add3A_126, %mul3A_127 : vector<16xf32>
        %add3A_129 = vector.broadcast %squeeze3A_78 : f32 to vector<16xf32>
        %add3A_130 = arith.addf %add3A_129, %mul3A_128 : vector<16xf32>
        %mul3A_131 = arith.constant 16 : i32
        %mul3A_132 = arith.muli %scan3A_121, %mul3A_131 : i32
        %add3A_133 = arith.constant 1024 : i32
        %add3A_134 = arith.addi %add3A_133, %mul3A_132 : i32
        %swap3A_135 = arith.index_cast %add3A_134 : i32 to index
        %swap3A_136 = tpu.vector_load %arg10[%swap3A_135] {strides = array<i32>} : memref<4671xf32, #tpu.memory_space<vmem>>, vector<16xf32>,
        %swap3A_137 = vector.shape_cast %swap3A_136 : vector<16xf32> to vector<16xf32>
        %swap3A_138 = vector.shape_cast %add3A_130 : vector<16xf32> to vector<16xf32>
        tpu.vector_store %arg10[%swap3A_135], %swap3A_138 {strides = array<i32>} : memref<4671xf32, #tpu.memory_space<vmem>>, vector<16xf32>,
      }
      %scan3A_103 = arith.constant 36 : i32
      %scan3A_104 = arith.constant 0 : i32
      %scan3A_105 = arith.constant 0 : i32
      %scan3A_106 = arith.constant 191 : i32
      %scan3A_107 = arith.addi %scan3A_105, %scan3A_106 : i32
      %scan3A_108 = arith.constant 1 : i32
      scf.for %scan3A_121 = %scan3A_105 to %scan3A_107 step %scan3A_108  : i32 {
        %mul3A_122 = arith.constant 16 : i32
        %mul3A_123 = arith.muli %scan3A_121, %mul3A_122 : i32
        %add3A_124 = arith.addi %min3A_55, %mul3A_123 : i32
        %get3A_125 = arith.index_cast %add3A_124 : i32 to index
        %get3A_126 = tpu.vector_load %arg9[%get3A_125] {strides = array<i32>} : memref<4112xf32, #tpu.memory_space<vmem>>, vector<16xf32>,
        %get3A_127 = vector.shape_cast %get3A_126 : vector<16xf32> to vector<16xf32>
        %mul3A_128 = arith.constant 16 : i32
        %mul3A_129 = arith.muli %scan3A_121, %mul3A_128 : i32
        %add3A_130 = arith.constant 1600 : i32
        %add3A_131 = arith.addi %add3A_130, %mul3A_129 : i32
        %swap3A_132 = arith.index_cast %add3A_131 : i32 to index
        %swap3A_133 = tpu.vector_load %arg10[%swap3A_132] {strides = array<i32>} : memref<4671xf32, #tpu.memory_space<vmem>>, vector<16xf32>,
        %swap3A_134 = vector.shape_cast %swap3A_133 : vector<16xf32> to vector<16xf32>
        %swap3A_135 = vector.shape_cast %get3A_127 : vector<16xf32> to vector<16xf32>
        tpu.vector_store %arg10[%swap3A_132], %swap3A_135 {strides = array<i32>} : memref<4671xf32, #tpu.memory_space<vmem>>, vector<16xf32>,
      }
      %scan3A_109 = arith.constant 191 : i32
      %add3A_110 = arith.constant 3071 : i32
      %add3A_111 = arith.addi %min3A_55, %add3A_110 : i32
      %sub3A_112 = arith.constant 16 : i32
      %sub3A_113 = arith.subi %add3A_111, %sub3A_112 : i32
      %get3A_114 = arith.index_cast %sub3A_113 : i32 to index
      %get3A_115 = tpu.vector_load %arg9[%get3A_114] {strides = array<i32>} : memref<4112xf32, #tpu.memory_space<vmem>>, vector<16xf32>,
      %get3A_116 = vector.shape_cast %get3A_115 : vector<16xf32> to vector<16xf32>
      %swap3A_117 = arith.constant 4655 : index
      %swap3A_118 = tpu.vector_load %arg10[%swap3A_117] {strides = array<i32>} : memref<4671xf32, #tpu.memory_space<vmem>>, vector<16xf32>,
      %swap3A_119 = vector.shape_cast %swap3A_118 : vector<16xf32> to vector<16xf32>
      %swap3A_120 = vector.shape_cast %get3A_116 : vector<16xf32> to vector<16xf32>
      tpu.vector_store %arg10[%swap3A_117], %swap3A_120 {strides = array<i32>} : memref<4671xf32, #tpu.memory_space<vmem>>, vector<16xf32>,
      "tpu.region"() ({
        %run_scoped3A = tpu.sem_alloc : memref<!tpu.dma_semaphore, #tpu.memory_space<semaphore_mem>>
        tpu.enqueue_dma source(%arg10 : memref<4671xf32, #tpu.memory_space<vmem>>) target(%arg7 : memref<4671xf32, #tpu.memory_space<hbm>>) target_semaphore(%run_scoped3A : memref<!tpu.dma_semaphore, #tpu.memory_space<semaphore_mem>>)
        tpu.wait_dma2 semaphore(%run_scoped3A : memref<!tpu.dma_semaphore, #tpu.memory_space<semaphore_mem>>) src(%arg10 : memref<4671xf32, #tpu.memory_space<vmem>>) dst(%arg7 : memref<4671xf32, #tpu.memory_space<hbm>>)
        tpu.yield
      }) : () -> ()
    } else {
    }
    return
  }
}

</mosaic_0001>

<sc_bundles>
// kernel: kernel.3.cloned.1.call-start
scs
__scs_entry_jumppad:
0x0: {  	(pc) =	sbr.rel $0x88, $3  }
0x1: {  	(tag) =	ssettag $0x0;
	lr =	simm.s32 $0x1  }
0x2: {  	[smem:$0x3F9D] =	sst lr;
	_ =	strace $0xD0000000  }
0x3: {  	_ = 	snop  }
0x4: {  	_ = 	snop  }
0x5: {  	_ = 	snop  }
0x6: {  	_ = 	snop  }
0x7: {  	_ = 	snop  }
__scs_overlays_trampoline_lowered:
0x8: {  	[smem:$0x3FAC] =	sst s0  }
0x9: {  	[smem:$0x3FAD] =	sst s1  }
0xa: {  	[smem:$0x3FAE] =	sst s2  }
0xb: {  	[smem:$0x3FAF] =	sst s3  }
0xc: {  	[smem:$0x3FB0] =	sst s4  }
0xd: {  	[smem:$0x3FB1] =	sst s5  }
0xe: {  	[smem:$0x3FB2] =	sst s6  }
0xf: {  	[smem:$0x3FB3] =	sst s7  }
0x10: {  	[smem:$0x3FB4] =	sst s8  }
0x11: {  	[smem:$0x3FB5] =	sst s9;
	s0 =	simm.s32 @!p0 $0x0  }
0x12: {  	s1 =	sld [smem:$0x3F9B];
	s0 =	simm.s32 @p0 $0x1  }
0x13: {  	[smem:$0x3FB6] =	sst s0;
	s0 =	simm.s32 @!p1 $0x0  }
0x14: {  	s2 =	sld [smem:$0x3F9A];
	s0 =	simm.s32 @p1 $0x1  }
0x15: {  	[smem:$0x3FB7] =	sst s0;
	s0 =	simm.s32 @!p2 $0x0  }
0x16: {  	s3 =	sld [smem:$0x3FDB];
	s0 =	simm.s32 @p2 $0x1  }
0x17: {  	s4 =	simm.s32 $0x1BF5;
	[smem:$0x3FB9] =	sst s0  }
0x18: {  	s0 =	sld [smem:$0x3F9C];
	_ =	swait.ge [sflag:s4], $0x0  }
0x19: {  	s7 =	sld [smem:$0x3F9D]  }
0x1a: {  	s8 =	sadd.s32 $0xFFFFE003, lr  }
0x1b: {  	s9 =	sadd.s32 $0xFFFFFEF7, lr;
	s5 =	simm.s32 $0xFFFFFFFF;
	p2 =	slt.u32 s8, $0xFFFFF086  }
0x1c: {  	p1 =	slt.u32 s9, $0xF7A;
	s5 =	simm.s32 @!p2 $0x0  }
0x1d: {  	s5 =	simm.s32 @p1 $0x1;
	p0 =	seq.s32 s7, s2  }
0x1e: {  	s7 =	smul.u32 @!p0 $0xF7A, s2;
	p2 =	seq.s32 @!p0 s5, $0x0  }
0x1f: {  	s9 =	smul.u32 $0xF7A, s1;
	s8 =	simm.s32 @!p0 $0x1BF5;
	p2 =	por !p2, p0  }
0x20: {  	[sflag:s8] =	ssyncset.s32 @!p0 $0xFFFFF086;
	s6 =	sadd.s32 @!p0 s3, s7;
	s7 =	simm.s32 @!p0 $0x108  }
0x21: {  	s3 =	sadd.s32 s3, s9;
	s6 =	sadd.s32 @!p0 $0x88, s6;
	s7 =	simm.s32 @p2 $0x1082  }
0x22: {  	[simem:s7], [sflag:s8] =	dma.local @!p0 [hbm:s6], $0xF7A  }
0x23: {  	s9 =	sor.u32 $0xD0000000, s2;
	s6 =	simm.s32 $0x108;
	_ =	swait.ge @!p0 [sflag:s8], $0x0  }
0x24: {  	s3 =	sadd.s32 $0x88, s3;
	s6 =	simm.s32 @!p1 $0x1082;
	[sflag:s4] =	ssyncset.s32 $0xFFFFF086  }
0x25: {  	[simem:s6], [sflag:s4] =	dma.local [hbm:s3], $0xF7A  }
0x26: {  	[smem:$0x3F9D] =	sst s1;
	(tag) =	ssettag s2;
	_ =	strace s9  }
0x27: {  	s1 =	sld [smem:$0x3FAD]  }
0x28: {  	s2 =	sld [smem:$0x3FAE]  }
0x29: {  	s4 =	sld [smem:$0x3FB0]  }
0x2a: {  	p0 =	seq.s32 s5, $0x0;
	s5 =	sld [smem:$0x3FB1]  }
0x2b: {  	s6 =	sld [smem:$0x3FB2]  }
0x2c: {  	s7 =	sld [smem:$0x3FB3]  }
0x2d: {  	s3 =	simm.s32 $0x108;
	s8 =	sld [smem:$0x3FB4]  }
0x2e: {  	s3 =	simm.s32 @!p0 $0x1082;
	s9 =	sld [smem:$0x3FB5]  }
0x2f: {  	lr =	sadd.s32 s0, s3;
	s0 =	sld [smem:$0x3FAC]  }
0x30: {  	s3 =	sld [smem:$0x3FAF]  }
0x31: {  	[smem:$0x3FB8] =	sst s10  }
0x32: {  	s10 =	sld [smem:$0x3FB6];
	_ =	sdelay $0x3  }
0x33: {  	p0 =	seq.s32 s10, $0x1;
	s10 =	sld [smem:$0x3FB8];
	_ =	sdelay $0x3  }
0x34: {  	[smem:$0x3FB8] =	sst s10  }
0x35: {  	s10 =	sld [smem:$0x3FB7];
	_ =	sdelay $0x3  }
0x36: {  	p1 =	seq.s32 s10, $0x1;
	s10 =	sld [smem:$0x3FB8];
	_ =	sdelay $0x3  }
0x37: {  	[smem:$0x3FB8] =	sst s10  }
0x38: {  	s10 =	sld [smem:$0x3FB9]  }
0x39: {  	_ = 	snop;
	(pc) =	sbr.ind lr, $3  }
0x3a: {  	_ = 	snop  }
0x3b: {  	_ = 	snop  }
0x3c: {  	p2 =	seq.s32 s10, $0x1;
	s10 =	sld [smem:$0x3FB8]  }
0x3d: {  	_ =	shalt  }
0x3e: {  	_ =	shalt  }
0x3f: {  	_ =	shalt  }
0x40: {  	_ =	shalt  }
0x41: {  	_ =	shalt  }
0x42: {  	_ =	shalt  }
0x43: {  	_ =	shalt  }
0x44: {  	_ =	shalt  }
0x45: {  	_ =	shalt  }
0x46: {  	_ =	shalt  }
0x47: {  	_ =	shalt  }
0x48: {  	_ =	shalt  }
0x49: {  	_ =	shalt  }
0x4a: {  	_ =	shalt  }
0x4b: {  	_ =	shalt  }
0x4c: {  	_ =	shalt  }
0x4d: {  	_ =	shalt  }
0x4e: {  	_ =	shalt  }
0x4f: {  	_ =	shalt  }
0x50: {  	_ =	shalt  }
0x51: {  	_ =	shalt  }
0x52: {  	_ =	shalt  }
0x53: {  	_ =	shalt  }
0x54: {  	_ =	shalt  }
0x55: {  	_ =	shalt  }
0x56: {  	_ =	shalt  }
0x57: {  	_ =	shalt  }
0x58: {  	_ =	shalt  }
0x59: {  	_ =	shalt  }
0x5a: {  	_ =	shalt  }
0x5b: {  	_ =	shalt  }
0x5c: {  	_ =	shalt  }
0x5d: {  	_ =	shalt  }
0x5e: {  	_ =	shalt  }
0x5f: {  	_ =	shalt  }
0x60: {  	_ =	shalt  }
0x61: {  	_ =	shalt  }
0x62: {  	_ =	shalt  }
0x63: {  	_ =	shalt  }
0x64: {  	_ =	shalt  }
0x65: {  	_ =	shalt  }
0x66: {  	_ =	shalt  }
0x67: {  	_ =	shalt  }
0x68: {  	_ =	shalt  }
0x69: {  	_ =	shalt  }
0x6a: {  	_ =	shalt  }
0x6b: {  	_ =	shalt  }
0x6c: {  	_ =	shalt  }
0x6d: {  	_ =	shalt  }
0x6e: {  	_ =	shalt  }
0x6f: {  	_ =	shalt  }
0x70: {  	_ =	shalt  }
0x71: {  	_ =	shalt  }
0x72: {  	_ =	shalt  }
0x73: {  	_ =	shalt  }
0x74: {  	_ =	shalt  }
0x75: {  	_ =	shalt  }
0x76: {  	_ =	shalt  }
0x77: {  	_ =	shalt  }
0x78: {  	_ =	shalt  }
0x79: {  	_ =	shalt  }
0x7a: {  	_ =	shalt  }
0x7b: {  	_ =	shalt  }
0x7c: {  	_ =	shalt  }
0x7d: {  	_ =	shalt  }
0x7e: {  	_ =	shalt  }
0x7f: {  	_ =	shalt  }
0x80: {  	_ =	shalt  }
0x81: {  	_ =	shalt  }
0x82: {  	_ =	shalt  }
0x83: {  	_ =	shalt  }
0x84: {  	_ =	shalt  }
0x85: {  	_ =	shalt  }
0x86: {  	_ =	shalt  }
0x87: {  	_ =	shalt  }
.Lfunc_end0:
.L_simem_size_0:
called_computation.1_lowered:
.L_overlay_start_0:
0x88: {  	s2 =	sld [smem:$0x3FD9]  }
0x89: {  	s3 =	sld [smem:$0x3FFE];
	_ =	sdelay $0x1  }
0x8a: {  	s1 =	srdreg.scid  }
0x8b: {  	s0 =	sand.u32 $0x1, s1  }
0x8c: {  	s14 =	sshll.u32 s0, $0xA;
	s2 =	sadd.s32 s3, s2  }
0x8d: {  	s2 =	sadd.s32 s2, s14  }
0x8e: {  	[smem:$0x3FC4] =	sst s2  }
0x8f: {  	_ = 	snop  }
0x90: {  	s2 =	sld [smem:$0x3FD0];
	_ =	sdelay $0x1  }
0x91: {  	s15 =	sld [smem:$0x3FC7]  }
0x92: {  	s5 =	simm.s32 $0xA;
	s6 =	simm.s32 $0x10;
	s4 =	sld [smem:$0x3FC6]  }
0x93: {  	[smem:s6], [sflag:s5] =	dma.local [hbm:s2], $0x1  }
0x94: {  	_ =	swait.eq [sflag:s5], $0x1  }
0x95: {  	[sflag:s5] =	ssyncset.done $0x0  }
0x96: {  	s16 =	sld [smem:$0x10];
	[sflag:s5] =	ssyncadd.s32 $0xFFFFFFFF  }
0x97: {  	s17 =	sld [smem:$0x11];
	(tm) =	ssettm $0x1  }
0x98: {  	s18 =	sld [smem:$0x3FFB];
	_ =	sdelay $0x3  }
0x99: {  	_ =	strace s18  }
0x9a: {  	s6 =	sld [smem:$0x3FFC];
	_ =	sdelay $0x3  }
0x9b: {  	_ =	strace s6  }
0x9c: {  	s6 =	sld [smem:$0x3FFD];
	_ =	sdelay $0x3  }
0x9d: {  	_ =	strace s6  }
0x9e: {  	_ =	strace $0x8FFFFFFF  }
0x9f: {  	s19 =	sld [smem:$0x3FDB];
	_ =	sdelay $0x1  }
0xa0: {  	s7 =	simm.s32 $_scs_section_size  }
0xa1: {  	s8 =	simm.s32 $_size__tile_overlayer_lowered;
	s9 =	simm.s32 $_tile_overlayer_lowered  }
0xa2: {  	s22 =	simm.s32 $0x1BFF;
	s21 =	sshll.u32 s9, $0x1;
	s6 =	sadd.s32 s7, s19  }
0xa3: {  	s10 =	simm.s32 $0x0;
	s20 =	sshll.u32 s8, $0x1;
	s8 =	sadd.s32 s21, s6  }
0xa4: {  	[timem:s10], [sflag:s22] =	dma.local [hbm:s8], s20  }
0xa5: {  	_ =	swait.ge [sflag:s22], s20  }
0xa6: {  	s7 =	ssub.s32 $0x0, s20;
	[sflag:s22] =	ssyncset.done $0x0  }
0xa7: {  	[sflag:s22] =	ssyncadd.s32 s7;
	_ =	sdelay $0x1  }
0xa8: {  	s23 =	simm.s32 $0x1B8B  }
0xa9: {  	_ =	swait.ge [sflag:s23], $0x1  }
0xaa: {  	[sflag:s23] =	ssyncset.done $0x0  }
0xab: {  	s25 =	simm.s32 $0x1B8E;
	s24 =	sld [smem:$0x3FFE];
	[sflag:s23] =	ssyncadd.s32 $0xFFFFFFFF  }
0xac: {  	s26 =	simm.s32 $execute0_lowered;
	[smem:$0x3FD2] =	sst s25  }
0xad: {  	s8 =	sshll.u32 s26, $0x1;
	_ =	strace $0x80000049;
	[dreg:$0x1] =	wrdreg $0xFFFFFFFF  }
0xae: {  	s28 =	simm.s32 $_size_execute0_lowered;
	s6 =	sadd.s32 s6, s8;
	[dreg:$0x0] =	wrdreg $0x0  }
0xaf: {  	s8 =	sshll.u32 s28, $0x1;
	[dreg:$0x2] =	wrdreg s6  }
0xb0: {  	[dreg:$0x3] =	wrdreg s8  }
0xb1: {  	[dreg:$0x4] =	wrdreg $0xC0  }
0xb2: {  	_ =	task [dreg:s10], $0x5FFFF  }
0xb3: {  	[dreg:$0x1] =	wrdreg $0xFFFFFFFF  }
0xb4: {  	[dreg:$0x0] =	wrdreg $0x60  }
0xb5: {  	[dreg:$0x2] =	wrdreg s16  }
0xb6: {  	[dreg:$0x3] =	wrdreg s24  }
0xb7: {  	[dreg:$0x4] =	wrdreg s15  }
0xb8: {  	[dreg:$0x5] =	wrdreg s4  }
0xb9: {  	[dreg:$0x6] =	wrdreg s17  }
0xba: {  	[dreg:$0x7] =	wrdreg $0x9  }
0xbb: {  	_ =	task.clear_ibuf [dreg:s10], $0x8FFFF;
	_ =	strace $0x90000049  }
0xbc: {  	s29 =	simm.s32 $0x9;
	_ =	strace $0x8000004B  }
0xbd: {  	_ =	swait.ge [sflag:s29], $0x1  }
0xbe: {  	[sflag:s29] =	ssyncadd.s32 $0xFFFFFFFF  }
0xbf: {  	_ =	strace $0x9000004B  }
0xc0: {  	_ =	sfence  }
0xc1: {  	s30 =	sld [smem:$0x0];
	_ =	sdelay $0x2  }
0xc2: {  	s31 =	sshll.u32 s1, $0xD;
	s1 =	sshrl.u32 s1, $0x2  }
0xc3: {  	s3 =	sand.u32 $0x4000, s31;
	s1 =	sadd.s32 s1, s30  }
0xc4: {  	s0 =	sor.u32 s3, s0;
	s1 =	sshll.u32 s1, $0x11  }
0xc5: {  	s0 =	sor.u32 s1, s0  }
0xc6: {  	s0 =	sadd.s32 $0x8F2B, s0  }
0xc7: {  	[sflag:s0] =	ssyncadd.remote.s32 $0x1  }
0xc8: {  	_ =	sfence.sel $0xFFFF  }
0xc9: {  	[dreg:$0x0] =	wrdreg $0xFFFFFFFF;
	(pc) =	sbr.abs _section_cstart, $3  }
0xca: {  	[dreg:$0x1] =	wrdreg $0xFFFFFFFF  }
0xcb: {  	_ =	task.clear_ibuf [dreg:s10], $0x2FFFF;
	_ =	strace $0x9FFFFFFF  }
0xcc: {  	(tm) =	ssettm $0x7FFFFFFF  }
0xcd: {  	_ =	shalt  }
tec
execute0_lowered:
.L_overlay_start_1:
0x0: {  	(tag) =	ssettag $0x1  }
0x1: {  	s1 =	rddreg [dreg:$0x0];
	s5 =	stileid.u32  }
0x2: {  	s0 =	rddreg [dreg:$0x1];
	s3 =	simm.s32 $0x0;
	s22 =	smul.u32 $0x12, s5  }
0x3: {  	s2 =	srdreg.scid;
	s9 =	simm.s32 $0xA;
	s12 =	smul.u32 $0x90000, s5  }
0x4: {  	[smem:$0x7FF] =	sst s3;
	s2 =	sand.u32 $0x1, s2;
	s16 =	smul.u32 $0x12000, s5  }
0x5: {  	v0 =	vimm.f32 $1.500000000e+01;
	vm0 =	vcmask $0x300;
	s7 =	sadd.s32 $0xE00, s0;
	s8 =	sadd.s32 $0x24E00, s0;
	s28 =	smul.u32 $0x120, s5  }
0x6: {  	vm14 =	vcmask $0x704;
	v0 =	vsel vm0, $0x0, v0;
	s21 =	sshll.u32 s5, $0x1;
	p0 =	slt.u32 s5, $0x2;
	s6 =	smul.u32 $0x9, s2  }
0x7: {  	vm15 =	vcmask $0xB08;
	_ =	strace $0x8000004A;
	s19 =	ssub.s32 $0x2, s2;
	v0 =	vsel vm14, $0x3F800000, v0;
	s10 =	smul.u32 $0x48000, s2  }
0x8: {  	vm4 =	vcmask $0xF0C;
	s3 =	sor.u32 s2, s21;
	s9 =	simm.s32 @!p0 $0x9;
	s15 =	smul.u32 $0x90, s2;
	v0 =	vsel vm15, $0x40000000, v0  }
0x9: {  	vm5 =	vcmask $0x1310;
	s26 =	smul.u32 $0x9000, s2;
	s4 =	sshrl.u32 s19, $0x1;
	s11 =	sadd.s32 $0xFFFFFFFF, s9;
	v0 =	vsel vm4, $0x40400000, v0  }
0xa: {  	vm6 =	vcmask $0x1714;
	s13 =	smin.u32 s3, $0x4;
	s29 =	sadd.s32 s16, s1;
	p0 =	sne.s32 s3, $0x1F;
	v0 =	vsel vm5, $0x40800000, v0  }
0xb: {  	vm7 =	vcmask $0x1B18;
	s20 =	ssub.s32 s19, s4;
	[dreg:$0x8] =	wrdreg s11;
	s23 =	sadd.s32 s22, s13;
	v0 =	vsel vm6, $0x40A00000, v0  }
0xc: {  	vm8 =	vcmask $0x1F1C;
	s14 =	sshll.u32 s13, $0xF;
	[dreg:$0x6] =	wrdreg s15;
	s30 =	sshll.u32 s13, $0xC;
	v0 =	vsel vm7, $0x40C00000, v0  }
0xd: {  	vm9 =	vcmask $0x2320;
	s11 =	sadd.s32 s6, s23;
	s0 =	smax.u32 s20, $0x1;
	s6 =	sadd.s32 s6, s13;
	v0 =	vsel vm8, $0x40E00000, v0  }
0xe: {  	vm10 =	vcmask $0x2724;
	s13 =	sshll.u32 s13, $0x4;
	s24 =	sshll.u32 s11, $0xC;
	[dreg:$0x9] =	wrdreg s0;
	v0 =	vsel vm9, $0x41000000, v0  }
0xf: {  	vm11 =	vcmask $0x2B28;
	s0 =	sadd.s32 s26, s29;
	s2 =	sadd.s32 s13, s28;
	s25 =	sadd.s32 s24, s1;
	v0 =	vsel vm10, $0x41100000, v0  }
.Ltmp0:
0x10: {  	vm12 =	vcmask $0x2F2C;
	s0 =	sadd.s32 s30, s0;
	[dreg:$0xb] =	wrdreg s2;
	v0 =	vsel vm11, $0x41200000, v0;
	(pc) =	sbr.rel .LBB2_1-.Ltmp0, $4  }
0x11: {  	vm13 =	vcmask $0x3330;
	s4 =	sadd.s32 s22, s6;
	[dreg:$0xa] =	wrdreg s25;
	s0 =	sadd.s32 $0x1000, s0;
	v0 =	vsel vm12, $0x41300000, v0  }
0x12: {  	vm14 =	vcmask $0x3734;
	s31 =	ssub.s32 $0x122, s4;
	[dreg:$0xc] =	wrdreg s0;
	s0 =	simm.s32 @!p0 $0x0;
	v0 =	vsel vm13, $0x41400000, v0  }
0x13: {  	s17 =	simm.s32 $0x5;
	vm15 =	vcmask $0x3B38;
	[dreg:$0x7] =	wrdreg s31;
	s0 =	simm.s32 @p0 $0x1;
	v2 =	vsel vm14, $0x41500000, v0  }
0x14: {  	v1 =	vimm.s32 $0x40000000;
	s12 =	sadd.s32 s14, s12;
	s20 =	simm.s32 $0x0;
	[smem:$0x7FD] =	sst s0;
	v0 =	vlaneseq.u32;
	v2 =	vsel vm15, $0x41600000, v2  }
.LBB2_12:
0x15: {  	_ =	sdelay $0x3  }
0x16: {  	v3 =	vld.idx.msk [tilespmem:v3+s0+$0x0 ss:$0x1], $0xffff;
	_ =	sdelay $0x4  }
0x17: {  	[tilespmem:s0+$0x2650] =	vst v3  }
0x18: {  	v3 =	vld [tilespmem:s21+$0x1BEF];
	_ =	sdelay $0x4  }
0x19: {  	s31 =	rddreg [dreg:$0x4];
	s2 =	simm.s32 $0x0;
	s3 =	simm.s32 $0x2010;
	[tilespmem:$0x323F] =	vst v3  }
0x1a: {  	[hbm4b:s31+s2] =	stream.linear.scatter [tilespmem:s3], [sflag:$0x5], $0x1240, $0x38;
	[tilespmem:$0x13270] =	vst v63  }
0x1b: {  	_ =	swait.ge [sflag:s17], $0x1240  }
0x1c: {  	[sflag:s17] =	ssyncset.done $0x0  }
0x1d: {  	[sflag:s17] =	ssyncadd.s32 $0xFFFFEDC0  }
.LBB2_13:
0x1e: {  	s20 =	sadd.s32 $0x1, s20;
	s0 =	rddreg [dreg:$0x9]  }
0x1f: {  	p0 =	sne.s32 s20, s0  }
.Ltmp1:
0x20: {  	_ = 	snop;
	(pc) =	sbr.rel @!p0 .LBB2_14-.Ltmp1, $1  }
0x21: {  	_ =	sdelay $0x3  }
.LBB2_1:
0x22: {  	s0 =	rddreg [dreg:$0x2];
	s2 =	simm.s32 $0x0  }
0x23: {  	[tilespmem:s2], [sflag:$0x5] =	stream.linear.gather [hbm4b:s0+s2], $0x1000, $0x38;
	[tilespmem:$0x13270] =	vst v63  }
0x24: {  	_ =	swait.ge [sflag:s17], $0x1000  }
0x25: {  	[sflag:s17] =	ssyncset.done $0x0  }
0x26: {  	[sflag:s17] =	ssyncadd.s32 $0xFFFFF000  }
0x27: {  	v3 =	vld [tilespmem:s2+$0x0];
	_ =	sdelay $0x4  }
0x28: {  	s0 =	simm.s32 $0x10;
	v4 =	vor.u32 s2, v0;
	s2 =	simm.s32 $0x10;
	vm0 =	veq.s32 v3, $0x400;
	v3 =	vimm.s32 $0x40000000  }
.LBB2_2:
0x29: {  	v5 =	vld [tilespmem:s2+$0x0];
	p0 =	sne.s32 s0, $0xFF0;
	v4 =	vnsel vm0, $0x40000000, v4;
	s3 =	smov.u32 s0;
	s0 =	sadd.s32 $0x10, s0  }
.Ltmp2:
0x2a: {  	vm0 =	vlt.s32 v3, v4;
	(pc) =	sbr.rel @p0 .LBB2_2-.Ltmp2, $2  }
0x2b: {  	v3 =	vsel vm0, v3, v4;
	_ =	sdelay $0x2  }
0x2c: {  	s2 =	sadd.s32 $0x10, s2;
	v4 =	vor.u32 s3, v0;
	vm0 =	veq.s32 v5, $0x400  }
0x2d: {  	v4 =	vnsel vm0, $0x40000000, v4  }
0x2e: {  	vm0 =	vlt.s32 v3, v4  }
0x2f: {  	[tilespmem:$0x325F] =	vst v1;
	v3 =	vsel vm0, v3, v4  }
0x30: {  	[tilespmem:$0x3250] =	vst v3  }
0x31: {  	v60 =	vld [tilespmem:$0x3258];
	_ =	sdelay $0x4  }
0x32: {  	vm0 =	vlt.s32 v3, v60  }
0x33: {  	v3 =	vsel vm0, v3, v60  }
0x34: {  	[tilespmem:$0x3250] =	vst v3  }
0x35: {  	v61 =	vld [tilespmem:$0x3254];
	_ =	sdelay $0x4  }
0x36: {  	vm0 =	vlt.s32 v3, v61  }
0x37: {  	v3 =	vsel vm0, v3, v61  }
0x38: {  	[tilespmem:$0x3250] =	vst v3  }
0x39: {  	v62 =	vld [tilespmem:$0x3252];
	_ =	sdelay $0x4  }
0x3a: {  	vm0 =	vlt.s32 v3, v62  }
0x3b: {  	v3 =	vsel vm0, v3, v62  }
0x3c: {  	[tilespmem:$0x3250] =	vst v3  }
0x3d: {  	v63 =	vld [tilespmem:$0x3251];
	_ =	sdelay $0x4  }
0x3e: {  	vm0 =	vlt.s32 v3, v63  }
0x3f: {  	v3 =	vsel vm0, v3, v63  }
0x40: {  	(v2sf) =	vpush v3, $0x0;
	_ =	sdelay $0xd  }
0x41: {  	s5 =	rddreg [dreg:$0x6]  }
0x42: {  	s14 =	rddreg [dreg:$0xa];
	s22 =	spop (v2sf)  }
0x43: {  	s3 =	sadd.s32 $0x0, s11;
	s13 =	rddreg [dreg:$0x7];
	s0 =	sadd.s32 $0xFFFFFC00, s22  }
0x44: {  	s6 =	rddreg [dreg:$0x8];
	s23 =	sadd.s32 $0x1, s22;
	p0 =	sgt.s32 s0, $0x0  }
0x45: {  	s2 =	smov.u32 s23;
	s0 =	simm.s32 @!p0 $0x0;
	p0 =	sgt.s32 s23, $0x0  }
0x46: {  	p3 =	sle.u32 s9, $0x0;
	s15 =	rddreg [dreg:$0xb];
	s2 =	simm.s32 @!p0 $0x0  }
0x47: {  	s24 =	smin.u32 s0, $0xC00;
	p0 =	sgt.u32 @!p3 s3, $0x3F;
	s21 =	smin.u32 s2, $0x401  }
0x48: {  	p2 =	por !p0, p3;
	s26 =	sshll.u32 s24, $0x8;
	p1 =	por p0, p3  }
0x49: {  	s25 =	sadd.s32 $0x1FF9C0, s21;
	s0 =	simm.s32 @!p2 $0x0;
	s2 =	sadd.s32 @!p1 s14, s26  }
0x4a: {  	p1 =	seq.s32 s3, $0x123;
	s0 =	simm.s32 @p2 $0x1;
	p2 =	sgt.u32 @!p2 s3, $0x63  }
0x4b: {  	[smem:$0x7FB] =	sst s0;
	p4 =	por @!p3 !p2, !p0;
	p0 =	por @!p3 p2, !p0  }
0x4c: {  	s0 =	sadd.s32 s15, s5;
	p2 =	por p3, p3;
	s4 =	simm.s32 @!p4 $0x0  }
0x4d: {  	s31 =	sadd.s32 $0x10, s0;
	s0 =	simm.s32 @p1 $0x122F;
	p1 =	seq.s32 s13, $0x0  }
0x4e: {  	s4 =	simm.s32 @p4 $0x1;
	p4 =	por p4, p2;
	s31 =	simm.s32 @p1 $0x122F  }
0x4f: {  	p1 =	sle.u32 s6, $0x0;
	[smem:$0x7F9] =	sst s4;
	s4 =	sadd.s32 @!p2 s0, s25  }
0x50: {  	p6 =	sgt.u32 @!p1 s3, $0x3E;
	s4 =	sshll.u32 @!p4 s4, $0x8  }
0x51: {  	p5 =	por !p6, p1;
	s4 =	sand.u32 @!p4 $0x1FFFFF00, s4  }
0x52: {  	s5 =	simm.s32 @!p5 $0x0;
	s4 =	sadd.s32 @!p4 s1, s4;
	p4 =	sgt.u32 @!p5 s3, $0x62  }
0x53: {  	s5 =	simm.s32 @p5 $0x1;
	p5 =	por @!p1 p4, !p6;
	p4 =	por @!p1 !p4, !p6  }
0x54: {  	[smem:$0x7FC] =	sst s5;
	s5 =	simm.s32 @!p4 $0x0  }
0x55: {  	p0 =	por p0, p2;
	s16 =	sld [smem:$0x7F9];
	s5 =	simm.s32 @p4 $0x1  }
0x56: {  	s6 =	sadd.s32 @!p0 s12, s10;
	[smem:$0x7FA] =	sst s5  }
0x57: {  	s28 =	simm.s32 $0x2;
	s6 =	sadd.s32 @!p0 $0xFFE00000, s6;
	s5 =	sld [smem:$0x7FA]  }
0x58: {  	s30 =	sadd.s32 $0x20, s15;
	s0 =	sshll.u32 @!p2 s0, $0x8;
	s3 =	sshrl.u32 @!p0 s6, $0x3  }
0x59: {  	s0 =	sand.u32 @!p2 $0x1FFFFF00, s0;
	s6 =	sadd.s32 @!p1 s31, s25;
	s3 =	sadd.s32 @!p0 s7, s3  }
0x5a: {  	p0 =	seq.s32 s16, $0x1;
	s16 =	rddreg [dreg:$0xc];
	p4 =	seq.s32 s5, $0x1  }
0x5b: {  	p5 =	por p5, p1;
	p0 =	por !p0, p3;
	p4 =	por p4, p1  }
0x5c: {  	s13 =	sadd.s32 @!p5 s12, s10;
	s18 =	sld [smem:$0x7FA];
	s6 =	sshll.u32 @!p4 s6, $0x8  }
0x5d: {  	s19 =	sld [smem:$0x7FC];
	s13 =	sadd.s32 @!p5 $0xFFE08000, s13;
	s6 =	sand.u32 @!p4 $0x1FFFFF00, s6  }
0x5e: {  	s3 =	smov.u32 @p0 s4;
	s4 =	sadd.s32 @!p4 s1, s6;
	s6 =	sshrl.u32 @!p5 s13, $0x3  }
0x5f: {  	s13 =	sadd.s32 @!p5 s7, s6;
	p5 =	seq.s32 s18, $0x1;
	s18 =	sld [smem:$0x7FB]  }
0x60: {  	s29 =	sadd.s32 $0x2000, s16;
	s5 =	simm.s32 @!p3 $0x1;
	p0 =	por !p5, p1  }
0x61: {  	p4 =	por p6, p1;
	s6 =	simm.s32 @!p3 $0x3270;
	s13 =	smov.u32 @p0 s4  }
0x62: {  	s4 =	sadd.s32 @!p4 s16, s26;
	p0 =	seq.s32 s18, $0x1;
	s18 =	simm.s32 @!p2 $0x0  }
0x63: {  	[tilespmem:$0x3250] =	vst v3;
	s3 =	smov.u32 @p0 s2;
	p0 =	seq.s32 s19, $0x1;
	s19 =	simm.s32 @!p1 $0x0  }
0x64: {  	[tilespmem:s6], [sflag:$0x1] =	stream.linear.gather @!p2 [hbm4b:s3+s18], $0x8000, $0x38;
	[tilespmem:$0x13270] =	vst v63  }
0x65: {  	s2 =	simm.s32 @!p1 $0xB270;
	s13 =	smov.u32 @p0 s4;
	s3 =	sadd.s32 @!p2 s8, s0  }
0x66: {  	[tilespmem:s2], [sflag:$0x2] =	stream.linear.gather @!p1 [hbm4b:s13+s19], $0x8000, $0x38;
	[tilespmem:$0x13270] =	vst v63  }
0x67: {  	s0 =	sshll.u32 @!p1 s31, $0x8;
	s31 =	sadd.s32 $0x2000, s14;
	_ =	swait.ge @!p2 [sflag:s5], $0x8000  }
0x68: {  	s0 =	sand.u32 @!p1 $0x1FFFFF00, s0;
	s13 =	simm.s32 @!p1 $0x2;
	[sflag:s5] =	ssyncset.done @!p2 $0x0  }
0x69: {  	s4 =	sadd.s32 @!p1 s8, s0;
	s0 =	sadd.s32 $0x10000, s12;
	[sflag:s5] =	ssyncadd.s32 @!p2 $0xFFFF8000  }
.LBB2_4:
0x6a: {  	[hbm4b:s3+s18] =	stream.linear.scatter @!p2 [tilespmem:s6], [sflag:$0x3], $0x8000, $0x38;
	[tilespmem:$0x13270] =	vst v63  }
0x6b: {  	s5 =	smov.u32 s28;
	s28 =	sadd.s32 $0x2, s28;
	_ =	swait.ge @!p1 [sflag:s13], $0x8000  }
0x6c: {  	p0 =	sne.s32 s28, $0xA;
	[sflag:s13] =	ssyncset.done @!p1 $0x0  }
0x6d: {  	s3 =	simm.s32 @!p0 $0x0;
	[sflag:s13] =	ssyncadd.s32 @!p1 $0xFFFF8000  }
0x6e: {  	[hbm4b:s4+s19] =	stream.linear.scatter @!p1 [tilespmem:s2], [sflag:$0x4], $0x8000, $0x38;
	[tilespmem:$0x13270] =	vst v63  }
0x6f: {  	p5 =	sge.u32 s5, s9;
	s3 =	simm.s32 @p0 $0x1;
	s2 =	sadd.s32 s5, s11  }
0x70: {  	s6 =	simm.s32 @!p2 $0x3;
	[smem:$0x7F8] =	sst s3;
	p0 =	sgt.u32 @!p5 s2, $0x3F  }
0x71: {  	_ =	swait.ge @!p2 [sflag:s6], $0x8000;
	p3 =	por !p0, p5  }
0x72: {  	s13 =	simm.s32 @!p1 $0x4;
	[sflag:s6] =	ssyncset.done @!p2 $0x0;
	s4 =	simm.s32 @!p3 $0x0  }
0x73: {  	[sflag:s6] =	ssyncadd.s32 @!p2 $0xFFFF8000;
	p2 =	por p0, p5;
	s4 =	simm.s32 @p3 $0x1  }
0x74: {  	p3 =	sgt.u32 @!p3 s2, $0x63;
	s19 =	sadd.s32 @!p2 s31, s26;
	[smem:$0x7F6] =	sst s4  }
0x75: {  	p6 =	por @!p5 !p3, !p0;
	s4 =	simm.s32 @!p5 $0x1;
	_ =	swait.ge @!p1 [sflag:s13], $0x8000  }
0x76: {  	p3 =	por @!p5 p3, !p0;
	p2 =	por !p6, p5;
	s16 =	rddreg [dreg:$0x6]  }
0x77: {  	s14 =	rddreg [dreg:$0x8];
	s6 =	simm.s32 @!p2 $0x0;
	[sflag:s13] =	ssyncset.done @!p1 $0x0  }
0x78: {  	s15 =	rddreg [dreg:$0x7];
	s6 =	simm.s32 @p2 $0x1;
	[sflag:s13] =	ssyncadd.s32 @!p1 $0xFFFF8000  }
0x79: {  	s13 =	sadd.s32 s30, s16;
	p2 =	por p5, p5;
	p1 =	seq.s32 s2, $0x123  }
0x7a: {  	p0 =	seq.s32 s15, s5;
	[smem:$0x7F5] =	sst s6;
	s6 =	simm.s32 @!p5 $0x3270  }
0x7b: {  	p5 =	por p6, p2;
	s16 =	sadd.s32 $0x10, s13;
	s13 =	simm.s32 @p1 $0x122F  }
0x7c: {  	p1 =	sge.u32 s5, s14;
	s5 =	simm.s32 @!p0 $0x0;
	p3 =	por p3, p2  }
0x7d: {  	s5 =	simm.s32 @p0 $0x1;
	p6 =	sgt.u32 @!p1 s2, $0x3E;
	s14 =	sadd.s32 @!p3 s0, s10  }
0x7e: {  	[smem:$0x7F4] =	sst s5;
	s5 =	sadd.s32 @!p2 s13, s25;
	p0 =	por !p6, p1  }
0x7f: {  	s14 =	sadd.s32 @!p3 $0xFFE00000, s14;
	s15 =	simm.s32 @!p0 $0x0;
	s5 =	sshll.u32 @!p5 s5, $0x8  }
0x80: {  	p4 =	sgt.u32 @!p0 s2, $0x62;
	s18 =	sld [smem:$0x7F4];
	s15 =	simm.s32 @p0 $0x1  }
0x81: {  	s2 =	sand.u32 @!p5 $0x1FFFFF00, s5;
	s5 =	sshrl.u32 @!p3 s14, $0x3;
	[smem:$0x7F7] =	sst s15  }
0x82: {  	s5 =	sadd.s32 @!p3 s7, s5;
	p3 =	por @!p1 p4, !p6;
	s15 =	sld [smem:$0x7F5]  }
0x83: {  	s3 =	smov.u32 s29;
	s2 =	sadd.s32 @!p5 s1, s2;
	p3 =	por p3, p1  }
0x84: {  	p0 =	seq.s32 s18, $0x1;
	s18 =	sld [smem:$0x7F6];
	s14 =	sadd.s32 @!p3 s0, s10  }
0x85: {  	s16 =	simm.s32 @p0 $0x122F;
	p0 =	seq.s32 s15, $0x1;
	s14 =	sadd.s32 @!p3 $0xFFE08000, s14  }
0x86: {  	s15 =	sld [smem:$0x7F7];
	s5 =	smov.u32 @p0 s2;
	p0 =	por @!p1 !p4, !p6  }
0x87: {  	s2 =	sshll.u32 @!p2 s13, $0x8;
	s13 =	sadd.s32 @!p1 s16, s25;
	p5 =	seq.s32 s18, $0x1  }
0x88: {  	s18 =	simm.s32 @!p2 $0x0;
	s14 =	sshrl.u32 @!p3 s14, $0x3;
	p4 =	por p0, p1  }
0x89: {  	s5 =	smov.u32 @p5 s19;
	p0 =	por !p0, p1;
	s13 =	sshll.u32 @!p4 s13, $0x8  }
0x8a: {  	[tilespmem:s6], [sflag:$0x1] =	stream.linear.gather @!p2 [hbm4b:s5+s18], $0x8000, $0x38;
	[tilespmem:$0x13270] =	vst v63  }
0x8b: {  	s2 =	sand.u32 @!p2 $0x1FFFFF00, s2;
	s19 =	simm.s32 @!p1 $0x0;
	s13 =	sand.u32 @!p4 $0x1FFFFF00, s13  }
0x8c: {  	s5 =	sadd.s32 @!p3 s7, s14;
	p3 =	por p6, p1;
	s13 =	sadd.s32 @!p4 s1, s13  }
0x8d: {  	s5 =	smov.u32 @p0 s13;
	s13 =	sadd.s32 @!p3 s3, s26;
	p0 =	seq.s32 s15, $0x1  }
0x8e: {  	s3 =	sadd.s32 @!p2 s8, s2;
	s2 =	simm.s32 @!p1 $0xB270;
	s5 =	smov.u32 @p0 s13  }
0x8f: {  	[tilespmem:s2], [sflag:$0x2] =	stream.linear.gather @!p1 [hbm4b:s5+s19], $0x8000, $0x38;
	[tilespmem:$0x13270] =	vst v63  }
0x90: {  	_ =	swait.ge @!p2 [sflag:s4], $0x8000  }
0x91: {  	s5 =	sshll.u32 @!p1 s16, $0x8;
	s16 =	sld [smem:$0x7F8];
	_ =	sdelay $0x2  }
0x92: {  	p0 =	seq.s32 s16, $0x1  }
.Ltmp3:
0x93: {  	_ = 	snop;
	(pc) =	sbr.rel @p0 .LBB2_4-.Ltmp3, $4  }
0x94: {  	_ = 	snop  }
0x95: {  	s29 =	sadd.s32 $0x2000, s29;
	s31 =	sadd.s32 $0x2000, s31;
	s30 =	sadd.s32 $0x20, s30  }
0x96: {  	s0 =	sadd.s32 $0x10000, s0;
	s5 =	sand.u32 @!p1 $0x1FFFFF00, s5;
	[sflag:s4] =	ssyncset.done @!p2 $0x0  }
0x97: {  	s13 =	simm.s32 @!p1 $0x2;
	[sflag:s4] =	ssyncadd.s32 @!p2 $0xFFFF8000;
	s4 =	sadd.s32 @!p1 s8, s5  }
0x98: {  	[hbm4b:s3+s18] =	stream.linear.scatter @!p2 [tilespmem:s6], [sflag:$0x3], $0x8000, $0x38;
	[tilespmem:$0x13270] =	vst v63  }
0x99: {  	_ =	swait.ge @!p1 [sflag:s13], $0x8000  }
0x9a: {  	[sflag:s13] =	ssyncset.done @!p1 $0x0  }
0x9b: {  	s0 =	simm.s32 @!p2 $0x3;
	[sflag:s13] =	ssyncadd.s32 @!p1 $0xFFFF8000  }
0x9c: {  	[hbm4b:s4+s19] =	stream.linear.scatter @!p1 [tilespmem:s2], [sflag:$0x4], $0x8000, $0x38;
	[tilespmem:$0x13270] =	vst v63  }
0x9d: {  	_ =	swait.ge @!p2 [sflag:s0], $0x8000  }
0x9e: {  	[sflag:s0] =	ssyncset.done @!p2 $0x0  }
0x9f: {  	[sflag:s0] =	ssyncadd.s32 @!p2 $0xFFFF8000;
	s0 =	simm.s32 @!p1 $0x4  }
0xa0: {  	_ =	swait.ge @!p1 [sflag:s0], $0x8000  }
0xa1: {  	s31 =	sld [smem:$0x7FD];
	_ =	sdelay $0x2  }
0xa2: {  	p0 =	seq.s32 s31, $0x1  }
.Ltmp4:
0xa3: {  	_ = 	snop;
	(pc) =	sbr.rel @p0 .LBB2_13-.Ltmp4, $3  }
0xa4: {  	_ =	sdelay $0x1  }
0xa5: {  	[sflag:s0] =	ssyncset.done @!p1 $0x0  }
0xa6: {  	[sflag:s0] =	ssyncadd.s32 @!p1 $0xFFFF8000  }
0xa7: {  	s0 =	simm.s32 $0x0  }
0xa8: {  	s2 =	rddreg [dreg:$0x3];
	s3 =	simm.s32 $0x1000;
	s31 =	sor.u32 $0x1000, s24  }
0xa9: {  	[tilespmem:s3], [sflag:$0x5] =	stream.linear.gather [hbm4b:s2+s0], $0x1000, $0x38;
	[tilespmem:$0x13270] =	vst v63  }
0xaa: {  	v5 =	vmov s31;
	_ =	swait.ge [sflag:s17], $0x1000  }
0xab: {  	[sflag:s17] =	ssyncset.done $0x0  }
0xac: {  	p0 =	slt.s32 s23, $0xFFF;
	[sflag:s17] =	ssyncadd.s32 $0xFFFFF000  }
0xad: {  	s23 =	simm.s32 @!p0 $0xFFF;
	v3 =	vld [tilespmem:s22+$0x1000]  }
0xae: {  	s0 =	simm.s32 $0x0;
	s2 =	simm.s32 $0x40;
	v4 =	vld [tilespmem:s23+$0x1000]  }
.LBB2_7:
0xaf: {  	p0 =	seq.s32 s2, $0xFC0;
	v6 =	vld.idx.msk [tilespmem:v5+s0+$0x0 ss:$0x1], $0xffff;
	_ =	sdelay $0x1  }
.Ltmp5:
0xb0: {  	(pc) =	sbr.rel @!p0 .LBB2_7-.Ltmp5, $2  }
0xb1: {  	_ =	sdelay $0x2  }
0xb2: {  	[tilespmem:s0+$0x2010] =	vst v6;
	s0 =	sshra.s32 s2, $0x2;
	s2 =	sadd.s32 $0x40, s2  }
0xb3: {  	(v2sf) =	vpush v3, $0x0  }
0xb4: {  	(v2sf) =	vpush v4, $0x0;
	_ =	sdelay $0xa  }
0xb5: {  	v5 =	vld.idx.msk [tilespmem:v5+s0+$0x0 ss:$0x1], $0xffff;
	_ =	sdelay $0x2  }
0xb6: {  	s29 =	spop (v2sf)  }
0xb7: {  	s2 =	spop (v2sf)  }
0xb8: {  	s30 =	simm.s32 $0x0;
	[tilespmem:s0+$0x2010] =	vst v5;
	s0 =	ssub.f32 s2, s29  }
0xb9: {  	s2 =	scvt.s32.f32 s30  }
0xba: {  	s0 =	smul.f32 $1.739130470e-03, s0  }
0xbb: {  	v5 =	vadd.f32 s2, v2  }
0xbc: {  	s31 =	simm.s32 $0x10;
	v4 =	vmov s0  }
0xbd: {  	v3 =	vbroadcast v3, $0x0;
	s2 =	scvt.s32.f32 s31;
	v5 =	vmul.f32 v5, v4;
	_ =	sdelay $0x1  }
0xbe: {  	v6 =	vadd.f32 s2, v2;
	v5 =	vadd.f32 v5, v3  }
0xbf: {  	s0 =	simm.s32 $0x2410  }
0xc0: {  	s2 =	simm.s32 $0x20;
	[tilespmem:s0+$0x0] =	vst v5;
	v5 =	vmul.f32 v6, v4  }
.LBB2_9:
0xc1: {  	p0 =	seq.s32 s2, $0x230  }
.Ltmp6:
0xc2: {  	s3 =	scvt.s32.f32 s2;
	s2 =	sadd.s32 $0x10, s2;
	v5 =	vadd.f32 v5, v3;
	(pc) =	sbr.rel @!p0 .LBB2_9-.Ltmp6, $3  }
0xc3: {  	s0 =	sadd.s32 $0x10, s0  }
0xc4: {  	v6 =	vadd.f32 s3, v2;
	[tilespmem:s0+$0x0] =	vst v5;
	_ =	sdelay $0x1  }
0xc5: {  	v5 =	vmul.f32 v6, v4  }
0xc6: {  	_ = 	snop  }
0xc7: {  	v3 =	vadd.f32 v5, v3  }
0xc8: {  	s0 =	sadd.s32 $0x10, s0;
	s31 =	sor.u32 $0x1000, s21  }
0xc9: {  	[tilespmem:s0+$0x0] =	vst v3;
	v3 =	vmov s31;
	_ =	sdelay $0x3  }
0xca: {  	s2 =	simm.s32 $0x40;
	s0 =	simm.s32 $0x0  }
.LBB2_11:
0xcb: {  	p0 =	sne.s32 s2, $0x2F80;
	v4 =	vld.idx.msk [tilespmem:v3+s0+$0x0 ss:$0x1], $0xffff;
	_ =	sdelay $0x1  }
.Ltmp7:
0xcc: {  	(pc) =	sbr.rel @p0 .LBB2_11-.Ltmp7, $2  }
0xcd: {  	_ =	sdelay $0x2  }
0xce: {  	[tilespmem:s0+$0x2650] =	vst v4;
	s0 =	sshra.s32 s2, $0x2;
	s2 =	sadd.s32 $0x40, s2  }
.Ltmp8:
0xcf: {  	_ = 	snop;
	(pc) =	sbr.rel .LBB2_12-.Ltmp8, $1  }
0xd0: {  	_ =	sdelay $0x3  }
.LBB2_14:
0xd1: {  	_ =	sfence.sel $0x180000  }
0xd2: {  	[bflag:$0x0] =	sbarrier.arrive $0xFFFF  }
0xd3: {  	_ =	strace $0x9000004A  }
0xd4: {  	s0 =	stileid.u32;
	[bflag:$0x2] =	sbarrier.arrive $0xFFFF  }
0xd5: {  	p0 =	sne.s32 s0, $0x0;
	s0 =	rddreg [dreg:$0x5]  }
0xd6: {  	s0 =	sadd.s32 @!p0 $0x100000, s0  }
0xd7: {  	[sflag:s0] =	ssyncadd.tile.s32 @!p0 $0x1;
	_ =	shalt  }
.Lfunc_end2:
_tile_overlayer_lowered:
.L_overlay_start_2:
0xd8: {  	(tag) =	ssettag $0x2  }
0xd9: {  	s0 =	rddreg [dreg:$0x0];
	s2 =	stileid.u32  }
0xda: {  	s1 =	rddreg [dreg:$0x1];
	p0 =	sne.s32 s2, $0x0  }
0xdb: {  	s3 =	rddreg [dreg:$0x2];
	[bflag:$0x3] =	sbarrier.arrive $0xFFFF;
	s2 =	simm.s32 @!p0 $0x1C05  }
0xdc: {  	[timem:s3], [sflag:s2] =	dma.local @!p0 [hbm:s0], s1  }
0xdd: {  	s0 =	simm.s32 @!p0 $0x5  }
0xde: {  	_ =	swait.ge @!p0 [sflag:s0], s1  }
0xdf: {  	s1 =	ssub.s32 @!p0 $0x0, s1;
	[sflag:s0] =	ssyncset.done @!p0 $0x0  }
0xe0: {  	[sflag:s0] =	ssyncadd.s32 @!p0 s1  }
0xe1: {  	[bflag:$0x3] =	sbarrier.arrive $0xFFFF  }
0xe2: {  	_ =	shalt  }

// kernel: sparse-core-data-format-call.cloned.1.call-start
scs
called_computation_lowered:
.L_overlay_start_0:
0x0: {  	s2 =	sld [smem:$0x3FD9]  }
0x1: {  	s3 =	sld [smem:$0x3FFE];
	_ =	sdelay $0x1  }
0x2: {  	s1 =	srdreg.scid  }
0x3: {  	s0 =	sand.u32 $0x1, s1  }
0x4: {  	s16 =	sshll.u32 s0, $0xA;
	s2 =	sadd.s32 s3, s2  }
0x5: {  	s2 =	sadd.s32 s2, s16  }
0x6: {  	[smem:$0x3FC4] =	sst s2  }
0x7: {  	_ = 	snop  }
0x8: {  	s2 =	sld [smem:$0x3FD0];
	_ =	sdelay $0x2  }
0x9: {  	s4 =	simm.s32 $0xA;
	s5 =	simm.s32 $0x10;
	s17 =	sld [smem:$0x3FC9]  }
0xa: {  	[smem:s5], [sflag:s4] =	dma.local [hbm:s2], $0x1  }
0xb: {  	_ =	swait.eq [sflag:s4], $0x1  }
0xc: {  	[sflag:s4] =	ssyncset.done $0x0  }
0xd: {  	[sflag:s4] =	ssyncadd.s32 $0xFFFFFFFF  }
0xe: {  	s18 =	sld [smem:$0x10];
	(tm) =	ssettm $0x1  }
0xf: {  	s19 =	sld [smem:$0x3FFB];
	_ =	sdelay $0x3  }
0x10: {  	_ =	strace s19  }
0x11: {  	s4 =	sld [smem:$0x3FFC];
	_ =	sdelay $0x3  }
0x12: {  	_ =	strace s4  }
0x13: {  	s4 =	sld [smem:$0x3FFD];
	_ =	sdelay $0x3  }
0x14: {  	_ =	strace s4  }
0x15: {  	_ =	strace $0x8FFFFFFF  }
0x16: {  	s20 =	sld [smem:$0x3FDB];
	_ =	sdelay $0x1  }
0x17: {  	s21 =	simm.s32 $_scs_section_size  }
0x18: {  	s6 =	simm.s32 $_size__tile_overlayer_lowered;
	s7 =	simm.s32 $_tile_overlayer_lowered  }
0x19: {  	s24 =	simm.s32 $0x1BFF;
	s23 =	sshll.u32 s7, $0x1;
	s4 =	sadd.s32 s21, s20  }
0x1a: {  	s8 =	simm.s32 $0x0;
	s22 =	sshll.u32 s6, $0x1;
	s6 =	sadd.s32 s23, s4  }
0x1b: {  	[timem:s8], [sflag:s24] =	dma.local [hbm:s6], s22  }
0x1c: {  	_ =	swait.ge [sflag:s24], s22  }
0x1d: {  	s5 =	ssub.s32 $0x0, s22;
	[sflag:s24] =	ssyncset.done $0x0  }
0x1e: {  	[sflag:s24] =	ssyncadd.s32 s5;
	_ =	sdelay $0x1  }
0x1f: {  	s25 =	simm.s32 $0x1B8B  }
0x20: {  	_ =	swait.ge [sflag:s25], $0x1  }
0x21: {  	[sflag:s25] =	ssyncset.done $0x0  }
0x22: {  	s26 =	simm.s32 $0x1B8E;
	[sflag:s25] =	ssyncadd.s32 $0xFFFFFFFF  }
0x23: {  	s27 =	simm.s32 $execute0_lowered;
	[smem:$0x3FD2] =	sst s26  }
0x24: {  	s5 =	sshll.u32 s27, $0x1;
	_ =	strace $0x80000046;
	[dreg:$0x1] =	wrdreg $0xFFFFFFFF  }
0x25: {  	s28 =	simm.s32 $_size_execute0_lowered;
	s4 =	sadd.s32 s4, s5;
	[dreg:$0x0] =	wrdreg $0x0  }
0x26: {  	s5 =	sshll.u32 s28, $0x1;
	[dreg:$0x2] =	wrdreg s4  }
0x27: {  	[dreg:$0x3] =	wrdreg s5  }
0x28: {  	[dreg:$0x4] =	wrdreg $0xC0  }
0x29: {  	_ =	task [dreg:s8], $0x5FFFF  }
0x2a: {  	[dreg:$0x1] =	wrdreg $0xFFFFFFFF  }
0x2b: {  	[dreg:$0x0] =	wrdreg $0x60  }
0x2c: {  	[dreg:$0x2] =	wrdreg s17  }
0x2d: {  	[dreg:$0x3] =	wrdreg s18  }
0x2e: {  	[dreg:$0x4] =	wrdreg $0x9  }
0x2f: {  	_ =	task.clear_ibuf [dreg:s8], $0x5FFFF;
	_ =	strace $0x90000046  }
0x30: {  	s29 =	simm.s32 $0x9;
	_ =	strace $0x80000048  }
0x31: {  	_ =	swait.ge [sflag:s29], $0x1  }
0x32: {  	[sflag:s29] =	ssyncadd.s32 $0xFFFFFFFF  }
0x33: {  	_ =	strace $0x90000048  }
0x34: {  	_ =	sfence  }
0x35: {  	s30 =	sld [smem:$0x0];
	_ =	sdelay $0x2  }
0x36: {  	s31 =	sshll.u32 s1, $0xD;
	s1 =	sshrl.u32 s1, $0x2  }
0x37: {  	s3 =	sand.u32 $0x4000, s31;
	s1 =	sadd.s32 s1, s30  }
0x38: {  	s0 =	sor.u32 s3, s0;
	s1 =	sshll.u32 s1, $0x11  }
0x39: {  	s0 =	sor.u32 s1, s0  }
0x3a: {  	s0 =	sadd.s32 $0x8F2B, s0  }
0x3b: {  	[sflag:s0] =	ssyncadd.remote.s32 $0x1  }
0x3c: {  	_ =	sfence.sel $0xFFFF  }
0x3d: {  	[dreg:$0x0] =	wrdreg $0xFFFFFFFF;
	(pc) =	sbr.abs _section_cstart, $3  }
0x3e: {  	[dreg:$0x1] =	wrdreg $0xFFFFFFFF  }
0x3f: {  	_ =	task.clear_ibuf [dreg:s8], $0x2FFFF;
	_ =	strace $0x9FFFFFFF  }
0x40: {  	(tm) =	ssettm $0x7FFFFFFF  }
0x41: {  	_ =	shalt  }
tec
execute0_lowered:
.L_overlay_start_1:
0x0: {  	(tag) =	ssettag $0x1  }
0x1: {  	s2 =	rddreg [dreg:$0x0]  }
0x2: {  	s3 =	rddreg [dreg:$0x1]  }
0x3: {  	s0 =	rddreg [dreg:$0x2];
	s4 =	srdreg.scid  }
.Ltmp0:
0x4: {  	_ =	strace $0x80000047;
	s1 =	stileid.u32;
	(pc) =	sbr.rel .LBB1_1-.Ltmp0, $4  }
0x5: {  	s6 =	simm.s32 $0x2;
	p0 =	por $0x0, $0x0;
	s5 =	sshll.u32 s4, $0x4  }
0x6: {  	s9 =	simm.s32 $0x0;
	s4 =	simm.s32 $0x1;
	s5 =	sand.u32 $0x10, s5  }
0x7: {  	s7 =	simm.s32 $0x0;
	[sflag:s4] =	ssyncpa.u1 $0x0;
	s5 =	sor.u32 s1, s5  }
0x8: {  	[sflag:s6] =	ssyncpa.u1 $0x0;
	s6 =	simm.s32 $0x0;
	s8 =	smov.u32 s5  }
.LBB1_7:
0x9: {  	s11 =	sadd.s32 $0x20, s8  }
0xa: {  	p1 =	slt.u32 s7, $0x2;
	s7 =	sadd.s32 $0x1, s7;
	p2 =	sgt.s32 s11, $0x1FF  }
0xb: {  	s11 =	smov.u32 @p2 s5;
	p2 =	sne.s32 s7, $0x12  }
.Ltmp1:
0xc: {  	_ = 	snop;
	(pc) =	sbr.rel @!p2 .LBB1_8-.Ltmp1, $4  }
0xd: {  	s10 =	simm.s32 @!p1 $0x2  }
0xe: {  	_ =	swait.ge @!p1 [sflag:s10], $0x4000  }
0xf: {  	s9 =	smov.u32 s8;
	[sflag:s10] =	ssyncset.done @!p1 $0x0  }
0x10: {  	p0 =	por !p0, !p0;
	s8 =	smov.u32 s11;
	[sflag:s10] =	ssyncadd.s32 @!p1 $0xFFFFC000  }
.LBB1_1:
0x11: {  	p1 =	sgt.u32 s7, $0xF  }
0x12: {  	s10 =	sxor.u32 @!p1 $0xFFFFFFFF, s7  }
0x13: {  	s11 =	sshll.u32 @!p1 s8, $0xB;
	s10 =	sshll.u32 @!p1 s10, $0xE  }
0x14: {  	s12 =	simm.s32 @!p1 $0x0;
	s11 =	sadd.s32 @!p1 s2, s11;
	s10 =	sand.u32 @!p1 $0x4000, s10  }
0x15: {  	[tilespmem:s10], [sflag:$0x1] =	stream.linear.gather @!p1 [hbm4b:s11+s12], $0x4000, $0x38;
	[tilespmem:$0x10000] =	vst v63  }
0x16: {  	p1 =	seq.s32 s7, $0x0  }
0x17: {  	p2 =	seq.s32 @!p1 s7, $0x11  }
0x18: {  	p1 =	por p1, p2  }
.Ltmp2:
0x19: {  	_ = 	snop;
	(pc) =	sbr.rel @p1 .LBB1_7-.Ltmp2, $1  }
0x1a: {  	_ =	sdelay $0x3  }
0x1b: {  	s10 =	simm.s32 $0x1;
	_ =	swait.ge [sflag:s4], $0x4000;
	s12 =	sshll.u32 s7, $0xE  }
0x1c: {  	s13 =	simm.s32 $0x0;
	s10 =	simm.s32 @!p0 $0x0;
	[sflag:s4] =	ssyncset.done $0x0  }
0x1d: {  	s12 =	sand.u32 $0x4000, s12;
	s11 =	sshll.u32 s10, $0xE;
	[sflag:s4] =	ssyncadd.s32 $0xFFFFC000  }
0x1e: {  	s12 =	sor.u32 $0x8000, s12;
	s10 =	sor.u32 $0x8040, s11;
	s11 =	sor.u32 $0x40, s11  }
.LBB1_3:
0x1f: {  	v0 =	vmov s11;
	_ =	sdelay $0x3  }
0x20: {  	s15 =	simm.s32 $0x0  }
0x21: {  	v6 =	vld.idx.msk [tilespmem:v0+s15+$0x30 ss:$0x1], $0xffff  }
0x22: {  	v7 =	vld.idx.msk [tilespmem:v0+s15+$0xFFFFFFC0 ss:$0x1], $0xffff  }
0x23: {  	v5 =	vld.idx.msk [tilespmem:v0+s15+$0xFFFFFFD0 ss:$0x1], $0xffff  }
0x24: {  	v4 =	vld.idx.msk [tilespmem:v0+s15+$0xFFFFFFE0 ss:$0x1], $0xffff  }
0x25: {  	v3 =	vld.idx.msk [tilespmem:v0+s15+$0xFFFFFFF0 ss:$0x1], $0xffff  }
0x26: {  	v1 =	vld.idx.msk [tilespmem:v0+s15+$0x0 ss:$0x1], $0xffff  }
0x27: {  	v2 =	vld.idx.msk [tilespmem:v0+s15+$0x10 ss:$0x1], $0xffff;
	[tilespmem:s10+$0x30] =	vst v6  }
0x28: {  	s14 =	simm.s32 $0x80;
	s16 =	simm.s32 $0x400;
	[tilespmem:s10+$0xFFFFFFC0] =	vst v7;
	v6 =	vld.idx.msk [tilespmem:v0+s15+$0x20 ss:$0x1], $0xffff;
	s15 =	smov.u32 s10  }
.LBB1_4:
0x29: {  	p1 =	sne.s32 s16, $0xE00;
	v7 =	vld.idx.msk [tilespmem:v0+s14+$0x30 ss:$0x1], $0xffff;
	[tilespmem:s15+$0xFFFFFFD0] =	vst v5  }
0x2a: {  	v8 =	vld.idx.msk [tilespmem:v0+s14+$0xFFFFFFC0 ss:$0x1], $0xffff;
	[tilespmem:s15+$0xFFFFFFE0] =	vst v4  }
0x2b: {  	v5 =	vld.idx.msk [tilespmem:v0+s14+$0xFFFFFFD0 ss:$0x1], $0xffff;
	[tilespmem:s15+$0xFFFFFFF0] =	vst v3  }
.Ltmp3:
0x2c: {  	v4 =	vld.idx.msk [tilespmem:v0+s14+$0xFFFFFFE0 ss:$0x1], $0xffff;
	[tilespmem:s15+$0x0] =	vst v1;
	(pc) =	sbr.rel @p1 .LBB1_4-.Ltmp3, $4  }
0x2d: {  	v3 =	vld.idx.msk [tilespmem:v0+s14+$0xFFFFFFF0 ss:$0x1], $0xffff;
	[tilespmem:s15+$0x10] =	vst v2  }
0x2e: {  	v1 =	vld.idx.msk [tilespmem:v0+s14+$0x0 ss:$0x1], $0xffff;
	[tilespmem:s15+$0x20] =	vst v6;
	s15 =	sadd.s32 $0x800, s15  }
0x2f: {  	v2 =	vld.idx.msk [tilespmem:v0+s14+$0x10 ss:$0x1], $0xffff;
	[tilespmem:s15+$0x30] =	vst v7  }
0x30: {  	[tilespmem:s15+$0xFFFFFFC0] =	vst v8;
	v6 =	vld.idx.msk [tilespmem:v0+s14+$0x20 ss:$0x1], $0xffff;
	s14 =	sshra.s32 s16, $0x2;
	s16 =	sadd.s32 $0x200, s16  }
0x31: {  	_ =	sdelay $0x2  }
0x32: {  	[tilespmem:s15+$0xFFFFFFD0] =	vst v5  }
0x33: {  	v56 =	vld.idx.msk [tilespmem:v0+s14+$0x30 ss:$0x1], $0xffff;
	[tilespmem:s15+$0xFFFFFFE0] =	vst v4  }
0x34: {  	v57 =	vld.idx.msk [tilespmem:v0+s14+$0xFFFFFFC0 ss:$0x1], $0xffff;
	[tilespmem:s15+$0xFFFFFFF0] =	vst v3  }
0x35: {  	v58 =	vld.idx.msk [tilespmem:v0+s14+$0xFFFFFFD0 ss:$0x1], $0xffff;
	[tilespmem:s15+$0x0] =	vst v1  }
0x36: {  	v59 =	vld.idx.msk [tilespmem:v0+s14+$0xFFFFFFE0 ss:$0x1], $0xffff;
	[tilespmem:s15+$0x10] =	vst v2  }
0x37: {  	v60 =	vld.idx.msk [tilespmem:v0+s14+$0xFFFFFFF0 ss:$0x1], $0xffff;
	s31 =	sadd.s32 $0x800, s15;
	[tilespmem:s15+$0x20] =	vst v6  }
0x38: {  	v61 =	vld.idx.msk [tilespmem:v0+s14+$0x0 ss:$0x1], $0xffff;
	[tilespmem:s31+$0x30] =	vst v56  }
0x39: {  	v62 =	vld.idx.msk [tilespmem:v0+s14+$0x10 ss:$0x1], $0xffff;
	s13 =	sadd.s32 $0x1, s13;
	[tilespmem:s31+$0xFFFFFFC0] =	vst v57  }
0x3a: {  	v63 =	vld.idx.msk [tilespmem:v0+s14+$0x20 ss:$0x1], $0xffff;
	p1 =	sne.s32 s13, $0x10;
	[tilespmem:s31+$0xFFFFFFD0] =	vst v58  }
.Ltmp4:
0x3b: {  	[tilespmem:s31+$0xFFFFFFE0] =	vst v59;
	(pc) =	sbr.rel @p1 .LBB1_3-.Ltmp4, $4  }
0x3c: {  	[tilespmem:s31+$0xFFFFFFF0] =	vst v60  }
0x3d: {  	[tilespmem:s31+$0x0] =	vst v61  }
0x3e: {  	[tilespmem:s31+$0x10] =	vst v62  }
0x3f: {  	s10 =	sadd.s32 $0x80, s10;
	s11 =	sadd.s32 $0x400, s11;
	[tilespmem:s31+$0x20] =	vst v63  }
.Ltmp5:
0x40: {  	(pc) =	sbr.rel .LBB1_7-.Ltmp5, $4  }
0x41: {  	_ = 	snop  }
0x42: {  	s9 =	sshll.u32 s9, $0xB  }
0x43: {  	s9 =	sadd.s32 s3, s9  }
0x44: {  	[hbm4b:s9+s6] =	stream.linear.scatter [tilespmem:s12], [sflag:$0x2], $0x4000, $0x38;
	[tilespmem:$0x10000] =	vst v63  }
.LBB1_8:
0x45: {  	_ =	sfence.sel $0x180000  }
0x46: {  	s2 =	simm.s32 $0x1;
	[bflag:$0x0] =	sbarrier.arrive $0xFFFF  }
0x47: {  	s31 =	simm.s32 $0x2;
	[sflag:s2] =	ssyncpa.u1 $0x1  }
0x48: {  	[sflag:s31] =	ssyncpa.u1 $0x1  }
0x49: {  	p0 =	sne.s32 s1, $0x0;
	_ =	strace $0x90000047  }
0x4a: {  	s0 =	sadd.s32 @!p0 $0x100000, s0;
	[bflag:$0x2] =	sbarrier.arrive $0xFFFF  }
0x4b: {  	[sflag:s0] =	ssyncadd.tile.s32 @!p0 $0x1;
	_ =	shalt  }
.Lfunc_end1:
_tile_overlayer_lowered:
.L_overlay_start_2:
0x4c: {  	(tag) =	ssettag $0x2  }
0x4d: {  	s0 =	rddreg [dreg:$0x0];
	s2 =	stileid.u32  }
0x4e: {  	s1 =	rddreg [dreg:$0x1];
	p0 =	sne.s32 s2, $0x0  }
0x4f: {  	s3 =	rddreg [dreg:$0x2];
	[bflag:$0x3] =	sbarrier.arrive $0xFFFF;
	s2 =	simm.s32 @!p0 $0x1C01  }
0x50: {  	[timem:s3], [sflag:s2] =	dma.local @!p0 [hbm:s0], s1  }
0x51: {  	s0 =	simm.s32 @!p0 $0x1  }
0x52: {  	_ =	swait.ge @!p0 [sflag:s0], s1  }
0x53: {  	s1 =	ssub.s32 @!p0 $0x0, s1;
	[sflag:s0] =	ssyncset.done @!p0 $0x0  }
0x54: {  	[sflag:s0] =	ssyncadd.s32 @!p0 s1  }
0x55: {  	[bflag:$0x3] =	sbarrier.arrive $0xFFFF  }
0x56: {  	_ =	shalt  }

</sc_bundles>
